<compile_context>
chip_gen: v7x
topology: tpu7x:2x2x1
jax: 0.10.2.dev20260603
libtpu: 0.0.44.dev20260713+nightly
codegen_flags: <defaults>
</compile_context>

<pallas_src>
import functools

import jax
import jax.numpy as jnp
from jax import lax
from jax.experimental import pallas as pl
from jax.experimental.pallas import tpu as pltpu
from jax.experimental.pallas import tpu_sc as plsc

NC, NS, L = 2, 16, 16
NW = NC * NS
B, S, D = 1024, 200, 50
DP = 64
TOKENS = B * S
PER_W = TOKENS // NW
CHUNK = S
N_CHUNKS = PER_W // CHUNK
G0, G1 = 128, CHUNK - 128


def _sc_embed(ids_flat, wt_pad, pos_rows):
    mesh = plsc.VectorSubcoreMesh(core_axis_name="c", subcore_axis_name="s")

    @functools.partial(
        pl.kernel,
        out_type=jax.ShapeDtypeStruct((B, S, D), jnp.float32),
        mesh=mesh,
        scratch_types=[
            pltpu.VMEM((PER_W,), jnp.int32),
            pltpu.VMEM((CHUNK, DP), jnp.float32),
            pltpu.VMEM((CHUNK, DP), jnp.float32),
            pltpu.VMEM((CHUNK, D), jnp.float32),
            pltpu.VMEM((CHUNK, D), jnp.float32),
            pltpu.VMEM((S, D), jnp.float32),
            pltpu.SemaphoreType.DMA,
            pltpu.SemaphoreType.DMA,
            pltpu.SemaphoreType.DMA,
            pltpu.SemaphoreType.DMA,
        ],
        compiler_params=pltpu.CompilerParams(use_tc_tiling_on_sc=False),
    )
    def k(ids_hbm, tab_hbm, pos_hbm, out_hbm,
          ids_v, rows0, rows1, out0, out1, pos_v, gs0, gs1, os0, os1):
        wid = lax.axis_index("s") * NC + lax.axis_index("c")
        base_w = wid * PER_W
        seq_w = wid * N_CHUNKS
        pltpu.sync_copy(pos_hbm, pos_v)
        pltpu.sync_copy(ids_hbm.at[pl.ds(base_w, PER_W)], ids_v)

        def _gather_descs(j, rows_b, sem):
            c0 = pltpu.make_async_copy(
                tab_hbm.at[ids_v.at[pl.ds(j * CHUNK, G0)]],
                rows_b.at[pl.ds(0, G0)], sem)
            c1 = pltpu.make_async_copy(
                tab_hbm.at[ids_v.at[pl.ds(j * CHUNK + G0, G1)]],
                rows_b.at[pl.ds(G0, G1)], sem)
            return c0, c1

        def gather(j, rows_b, sem):
            for c in _gather_descs(j, rows_b, sem):
                c.start()

        def wait_gather(j, rows_b, sem):
            for c in _gather_descs(j, rows_b, sem):
                c.wait()

        def compute(rows_b, out_b):
            @pl.loop(0, CHUNK)
            def _(r):
                for c in (0, 16, 32, 34):
                    slc = (pl.ds(r, 1), pl.ds(c, L))
                    out_b.at[slc][...] = (
                        rows_b.at[slc][...] + pos_v.at[slc][...])

        def put(j, out_b, sem):
            pltpu.make_async_copy(out_b, out_hbm.at[seq_w + j], sem).start()

        def wait_put(j, out_b, sem):
            pltpu.make_async_copy(out_b, out_hbm.at[seq_w + j], sem).wait()

        gather(0, rows0, gs0)

        @pl.loop(0, N_CHUNKS // 2)
        def _(kk):
            j0 = 2 * kk
            j1 = j0 + 1

            wait_gather(j0, rows0, gs0)
            gather(j1, rows1, gs1)

            @pl.when(kk > 0)
            def _():
                wait_put(j0 - 2, out0, os0)
            compute(rows0, out0)
            put(j0, out0, os0)

            wait_gather(j1, rows1, gs1)

            @pl.when(j1 < N_CHUNKS - 1)
            def _():
                gather(j1 + 1, rows0, gs0)

            @pl.when(kk > 0)
            def _():
                wait_put(j1 - 2, out1, os1)
            compute(rows1, out1)
            put(j1, out1, os1)

        wait_put(N_CHUNKS - 2, out0, os0)
        wait_put(N_CHUNKS - 1, out1, os1)

    return k(ids_flat, wt_pad, pos_rows)


def kernel(token_ids, word_table, pos_table):
    ids_flat = token_ids.reshape(-1).astype(jnp.int32)
    wt_pad = lax.dynamic_update_slice(
        jnp.zeros((word_table.shape[0], DP), jnp.float32), word_table, (0, 0))
    return _sc_embed(ids_flat, wt_pad, pos_table[:S])

# --- scband reference (transcript-rebuilt; emitter-appended) ---
"""Pipeline reference for scband-glove-embedder-42932493091374 (READ-ONLY COPY).

The authoritative reference and input builder live on the scoring server;
editing this copy changes nothing except your own understanding.
"""

import jax, jax.numpy as jnp
import numpy as np

VOCAB = 400000
DIMS = 50
MAX_POSITIONS = 4050
BATCH = 1024
SEQ_LEN = 200

def setup_inputs(seed: int = 0) -> dict:
    key = jax.random.key(seed)
    k1, k2, k3 = jax.random.split(key, 3)
    token_ids = jax.random.randint(k1, (BATCH, SEQ_LEN), 0, VOCAB, dtype=jnp.int64 if jax.config.jax_enable_x64 else jnp.int32)
    word_table = jax.random.normal(k2, (VOCAB, DIMS), dtype=jnp.float32) * 0.1
    pos_table = jax.random.normal(k3, (MAX_POSITIONS, DIMS), dtype=jnp.float32) * 0.02
    return {"token_ids": token_ids, "word_table": word_table, "pos_table": pos_table}

def reference(token_ids, word_table, pos_table):
    # Word embedding lookup: equivalent to torch gathering glove vectors per word
    # (unknown words map to a valid row here; structurally identical gather).
    embs = jnp.take(word_table, token_ids, axis=0)  # [B, L, D]
    # Positional embeddings: pos_ids = arange(seq_len), looked up in nn.Embedding
    seq_len = token_ids.shape[1]
    pos_ids = jnp.arange(seq_len)
    pos_embs = jnp.take(pos_table, pos_ids, axis=0)  # [L, D]
    embs = embs + pos_embs[None, :, :]
    return embs

if __name__ == "__main__":
    import jax
    _d = setup_inputs()
    print(jax.jit(kernel)(*tuple(_d.values())))

</pallas_src>

<mosaic_0001>
#map = affine_map<(d0, d1) -> (0)>
#map1 = affine_map<(d0, d1) -> (0, 0)>
#map2 = affine_map<(d0, d1) -> (0, 0, 0)>
module attributes {stable_mosaic.version = 14 : i64} {
  func.func @k(%arg0: i32, %arg1: i32, %arg2: memref<204800xi32, #tpu.memory_space<hbm>>, %arg3: memref<400000x64xf32, #tpu.memory_space<hbm>>, %arg4: memref<200x50xf32, #tpu.memory_space<hbm>>, %arg5: memref<1024x200x50xf32, #tpu.memory_space<hbm>>, %arg6: memref<6400xi32, #tpu.memory_space<vmem>>, %arg7: memref<200x64xf32, #tpu.memory_space<vmem>>, %arg8: memref<200x64xf32, #tpu.memory_space<vmem>>, %arg9: memref<200x50xf32, #tpu.memory_space<vmem>>, %arg10: memref<200x50xf32, #tpu.memory_space<vmem>>, %arg11: memref<200x50xf32, #tpu.memory_space<vmem>>, %arg12: memref<!tpu.dma_semaphore, #tpu.memory_space<semaphore_mem>>, %arg13: memref<!tpu.dma_semaphore, #tpu.memory_space<semaphore_mem>>, %arg14: memref<!tpu.dma_semaphore, #tpu.memory_space<semaphore_mem>>, %arg15: memref<!tpu.dma_semaphore, #tpu.memory_space<semaphore_mem>>) attributes {dimension_semantics = [#tpu.dimension_semantics<core_parallel>, #tpu.dimension_semantics<subcore_parallel>], iteration_bounds = array<i64: 2, 16>, scalar_prefetch = 0 : i64, scratch_operands = 10 : i64, tpu.core_type = #tpu.core_type<sc_vector_subcore>, window_params = [{transform_indices = #map}, {transform_indices = #map1}, {transform_indices = #map1}, {transform_indices = #map2}]} {
    %mul3A = arith.constant 2 : i32
    %mul3A_0 = arith.muli %arg1, %mul3A : i32
    %add3A = arith.addi %mul3A_0, %arg0 : i32
    %mul3A_1 = arith.constant 6400 : i32
    %mul3A_2 = arith.muli %add3A, %mul3A_1 : i32
    %mul3A_3 = arith.constant 32 : i32
    %mul3A_4 = arith.muli %add3A, %mul3A_3 : i32
    "tpu.region"() ({
      %run_scoped3A = tpu.sem_alloc : memref<!tpu.dma_semaphore, #tpu.memory_space<semaphore_mem>>
      tpu.enqueue_dma source(%arg4 : memref<200x50xf32, #tpu.memory_space<hbm>>) target(%arg11 : memref<200x50xf32, #tpu.memory_space<vmem>>) target_semaphore(%run_scoped3A : memref<!tpu.dma_semaphore, #tpu.memory_space<semaphore_mem>>)
      tpu.wait_dma2 semaphore(%run_scoped3A : memref<!tpu.dma_semaphore, #tpu.memory_space<semaphore_mem>>) src(%arg4 : memref<200x50xf32, #tpu.memory_space<hbm>>) dst(%arg11 : memref<200x50xf32, #tpu.memory_space<vmem>>)
      tpu.yield
    }) : () -> ()
    "tpu.region"() ({
      %run_scoped3A = tpu.sem_alloc : memref<!tpu.dma_semaphore, #tpu.memory_space<semaphore_mem>>
      %dma_start3A_43 = tpu.memref_slice %arg2[%mul3A_2] : memref<204800xi32, #tpu.memory_space<hbm>> -> memref<6400xi32, #tpu.memory_space<hbm>>
      %dma_start3A_44 = tpu.memref_slice %arg2[%mul3A_2] : memref<204800xi32, #tpu.memory_space<hbm>> -> memref<6400xi32, #tpu.memory_space<hbm>>
      tpu.enqueue_dma source(%dma_start3A_44 : memref<6400xi32, #tpu.memory_space<hbm>>) target(%arg6 : memref<6400xi32, #tpu.memory_space<vmem>>) target_semaphore(%run_scoped3A : memref<!tpu.dma_semaphore, #tpu.memory_space<semaphore_mem>>)
      %dma_wait3A_45 = tpu.memref_slice %arg2[%mul3A_2] : memref<204800xi32, #tpu.memory_space<hbm>> -> memref<6400xi32, #tpu.memory_space<hbm>>
      %dma_wait3A_46 = tpu.memref_slice %arg2[%mul3A_2] : memref<204800xi32, #tpu.memory_space<hbm>> -> memref<6400xi32, #tpu.memory_space<hbm>>
      tpu.wait_dma2 semaphore(%run_scoped3A : memref<!tpu.dma_semaphore, #tpu.memory_space<semaphore_mem>>) src(%dma_wait3A_46 : memref<6400xi32, #tpu.memory_space<hbm>>) dst(%arg6 : memref<6400xi32, #tpu.memory_space<vmem>>)
      tpu.yield
    }) : () -> ()
    %dma_start3A = arith.constant 0 : i32
    %dma_start3A_5 = arith.constant 0 : i32
    %dma_start3A_6 = tpu.memref_slice %arg7[%dma_start3A, %dma_start3A_5] : memref<200x64xf32, #tpu.memory_space<vmem>> -> memref<128x64xf32, #tpu.memory_space<vmem>>
    %dma_start3A_7 = arith.constant 0 : i32
    %dma_start3A_8 = tpu.memref_slice %arg6[%dma_start3A_7] : memref<6400xi32, #tpu.memory_space<vmem>> -> memref<128xi32, #tpu.memory_space<vmem>>
    %dma_start3A_9 = arith.constant 0 : i32
    %dma_start3A_10 = arith.constant 0 : i32
    %dma_start3A_11 = tpu.memref_slice %arg3[%dma_start3A_9, %dma_start3A_10] : memref<400000x64xf32, #tpu.memory_space<hbm>> -> memref<400000x64xf32, #tpu.memory_space<hbm>>
    tpu.enqueue_indirect_dma source(%dma_start3A_11 : memref<400000x64xf32, #tpu.memory_space<hbm>>) target(%dma_start3A_6 : memref<128x64xf32, #tpu.memory_space<vmem>>) offsets(%dma_start3A_8 : memref<128xi32, #tpu.memory_space<vmem>>) semaphore(%arg12 : memref<!tpu.dma_semaphore, #tpu.memory_space<semaphore_mem>>)
    %dma_start3A_12 = arith.constant 128 : i32
    %dma_start3A_13 = arith.constant 0 : i32
    %dma_start3A_14 = tpu.memref_slice %arg7[%dma_start3A_12, %dma_start3A_13] : memref<200x64xf32, #tpu.memory_space<vmem>> -> memref<72x64xf32, #tpu.memory_space<vmem>>
    %dma_start3A_15 = arith.constant 128 : i32
    %dma_start3A_16 = tpu.memref_slice %arg6[%dma_start3A_15] : memref<6400xi32, #tpu.memory_space<vmem>> -> memref<72xi32, #tpu.memory_space<vmem>>
    %dma_start3A_17 = arith.constant 0 : i32
    %dma_start3A_18 = arith.constant 0 : i32
    %dma_start3A_19 = tpu.memref_slice %arg3[%dma_start3A_17, %dma_start3A_18] : memref<400000x64xf32, #tpu.memory_space<hbm>> -> memref<400000x64xf32, #tpu.memory_space<hbm>>
    tpu.enqueue_indirect_dma source(%dma_start3A_19 : memref<400000x64xf32, #tpu.memory_space<hbm>>) target(%dma_start3A_14 : memref<72x64xf32, #tpu.memory_space<vmem>>) offsets(%dma_start3A_16 : memref<72xi32, #tpu.memory_space<vmem>>) semaphore(%arg12 : memref<!tpu.dma_semaphore, #tpu.memory_space<semaphore_mem>>)
    %scan3A = arith.constant 0 : i32
    %scan3A_20 = arith.constant 16 : i32
    %scan3A_21 = arith.addi %scan3A, %scan3A_20 : i32
    %scan3A_22 = arith.constant 1 : i32
    scf.for %scan3A_43 = %scan3A to %scan3A_21 step %scan3A_22  : i32 {
      %mul3A_44 = arith.constant 1 : i32
      %mul3A_45 = arith.muli %scan3A_43, %mul3A_44 : i32
      %add3A_46 = arith.constant 0 : i32
      %add3A_47 = arith.addi %add3A_46, %mul3A_45 : i32
      %mul3A_48 = arith.constant 2 : i32
      %mul3A_49 = arith.muli %mul3A_48, %add3A_47 : i32
      %add3A_50 = arith.constant 1 : i32
      %add3A_51 = arith.addi %mul3A_49, %add3A_50 : i32
      %mul3A_52 = arith.constant 200 : i32
      %mul3A_53 = arith.muli %mul3A_49, %mul3A_52 : i32
      %mul3A_54 = arith.constant 200 : i32
      %mul3A_55 = arith.muli %mul3A_49, %mul3A_54 : i32
      %add3A_56 = arith.constant 128 : i32
      %add3A_57 = arith.addi %mul3A_55, %add3A_56 : i32
      %dma_wait3A_58 = arith.constant 0 : i32
      %dma_wait3A_59 = arith.constant 0 : i32
      %dma_wait3A_60 = tpu.memref_slice %arg7[%dma_wait3A_58, %dma_wait3A_59] : memref<200x64xf32, #tpu.memory_space<vmem>> -> memref<128x64xf32, #tpu.memory_space<vmem>>
      %dma_wait3A_61 = tpu.memref_slice %arg6[%mul3A_53] : memref<6400xi32, #tpu.memory_space<vmem>> -> memref<128xi32, #tpu.memory_space<vmem>>
      %dma_wait3A_62 = arith.constant 0 : i32
      %dma_wait3A_63 = arith.constant 0 : i32
      %dma_wait3A_64 = tpu.memref_slice %arg3[%dma_wait3A_62, %dma_wait3A_63] : memref<400000x64xf32, #tpu.memory_space<hbm>> -> memref<400000x64xf32, #tpu.memory_space<hbm>>
      tpu.wait_indirect_dma semaphore(%arg12 : memref<!tpu.dma_semaphore, #tpu.memory_space<semaphore_mem>>) src(%dma_wait3A_64 : memref<400000x64xf32, #tpu.memory_space<hbm>>) dst(%dma_wait3A_60 : memref<128x64xf32, #tpu.memory_space<vmem>>)
      %dma_wait3A_65 = arith.constant 128 : i32
      %dma_wait3A_66 = arith.constant 0 : i32
      %dma_wait3A_67 = tpu.memref_slice %arg7[%dma_wait3A_65, %dma_wait3A_66] : memref<200x64xf32, #tpu.memory_space<vmem>> -> memref<72x64xf32, #tpu.memory_space<vmem>>
      %dma_wait3A_68 = tpu.memref_slice %arg6[%add3A_57] : memref<6400xi32, #tpu.memory_space<vmem>> -> memref<72xi32, #tpu.memory_space<vmem>>
      %dma_wait3A_69 = arith.constant 0 : i32
      %dma_wait3A_70 = arith.constant 0 : i32
      %dma_wait3A_71 = tpu.memref_slice %arg3[%dma_wait3A_69, %dma_wait3A_70] : memref<400000x64xf32, #tpu.memory_space<hbm>> -> memref<400000x64xf32, #tpu.memory_space<hbm>>
      tpu.wait_indirect_dma semaphore(%arg12 : memref<!tpu.dma_semaphore, #tpu.memory_space<semaphore_mem>>) src(%dma_wait3A_71 : memref<400000x64xf32, #tpu.memory_space<hbm>>) dst(%dma_wait3A_67 : memref<72x64xf32, #tpu.memory_space<vmem>>)
      %mul3A_72 = arith.constant 200 : i32
      %mul3A_73 = arith.muli %add3A_51, %mul3A_72 : i32
      %mul3A_74 = arith.constant 200 : i32
      %mul3A_75 = arith.muli %add3A_51, %mul3A_74 : i32
      %add3A_76 = arith.constant 128 : i32
      %add3A_77 = arith.addi %mul3A_75, %add3A_76 : i32
      %dma_start3A_78 = arith.constant 0 : i32
      %dma_start3A_79 = arith.constant 0 : i32
      %dma_start3A_80 = tpu.memref_slice %arg8[%dma_start3A_78, %dma_start3A_79] : memref<200x64xf32, #tpu.memory_space<vmem>> -> memref<128x64xf32, #tpu.memory_space<vmem>>
      %dma_start3A_81 = tpu.memref_slice %arg6[%mul3A_73] : memref<6400xi32, #tpu.memory_space<vmem>> -> memref<128xi32, #tpu.memory_space<vmem>>
      %dma_start3A_82 = arith.constant 0 : i32
      %dma_start3A_83 = arith.constant 0 : i32
      %dma_start3A_84 = tpu.memref_slice %arg3[%dma_start3A_82, %dma_start3A_83] : memref<400000x64xf32, #tpu.memory_space<hbm>> -> memref<400000x64xf32, #tpu.memory_space<hbm>>
      tpu.enqueue_indirect_dma source(%dma_start3A_84 : memref<400000x64xf32, #tpu.memory_space<hbm>>) target(%dma_start3A_80 : memref<128x64xf32, #tpu.memory_space<vmem>>) offsets(%dma_start3A_81 : memref<128xi32, #tpu.memory_space<vmem>>) semaphore(%arg13 : memref<!tpu.dma_semaphore, #tpu.memory_space<semaphore_mem>>)
      %dma_start3A_85 = arith.constant 128 : i32
      %dma_start3A_86 = arith.constant 0 : i32
      %dma_start3A_87 = tpu.memref_slice %arg8[%dma_start3A_85, %dma_start3A_86] : memref<200x64xf32, #tpu.memory_space<vmem>> -> memref<72x64xf32, #tpu.memory_space<vmem>>
      %dma_start3A_88 = tpu.memref_slice %arg6[%add3A_77] : memref<6400xi32, #tpu.memory_space<vmem>> -> memref<72xi32, #tpu.memory_space<vmem>>
      %dma_start3A_89 = arith.constant 0 : i32
      %dma_start3A_90 = arith.constant 0 : i32
      %dma_start3A_91 = tpu.memref_slice %arg3[%dma_start3A_89, %dma_start3A_90] : memref<400000x64xf32, #tpu.memory_space<hbm>> -> memref<400000x64xf32, #tpu.memory_space<hbm>>
      tpu.enqueue_indirect_dma source(%dma_start3A_91 : memref<400000x64xf32, #tpu.memory_space<hbm>>) target(%dma_start3A_87 : memref<72x64xf32, #tpu.memory_space<vmem>>) offsets(%dma_start3A_88 : memref<72xi32, #tpu.memory_space<vmem>>) semaphore(%arg13 : memref<!tpu.dma_semaphore, #tpu.memory_space<semaphore_mem>>)
      %gt3A = arith.constant 0 : i32
      %gt3A_92 = arith.cmpi sgt, %add3A_47, %gt3A : i32
      %convert_element_type3A = arith.extui %gt3A_92 : i1 to i32
      %cond3A = arith.constant 0 : i32
      %cond3A_93 = arith.cmpi ne, %convert_element_type3A, %cond3A : i32
      scf.if %cond3A_93 {
        %sub3A = arith.constant 2 : i32
        %sub3A_151 = arith.subi %mul3A_49, %sub3A : i32
        %add3A_152 = arith.addi %mul3A_4, %sub3A_151 : i32
        %dma_wait3A_153 = arith.constant 0 : i32
        %dma_wait3A_154 = arith.constant 0 : i32
        %dma_wait3A_155 = tpu.memref_slice %arg5[%add3A_152, %dma_wait3A_153, %dma_wait3A_154] : memref<1024x200x50xf32, #tpu.memory_space<hbm>> -> memref<1x200x50xf32, #tpu.memory_space<hbm>>
        %dma_wait3A_156 = tpu.memref_squeeze %dma_wait3A_155 : memref<1x200x50xf32, #tpu.memory_space<hbm>> -> memref<200x50xf32, #tpu.memory_space<hbm>>
        %dma_wait3A_157 = arith.constant 0 : i32
        %dma_wait3A_158 = arith.constant 0 : i32
        %dma_wait3A_159 = tpu.memref_slice %arg5[%add3A_152, %dma_wait3A_157, %dma_wait3A_158] : memref<1024x200x50xf32, #tpu.memory_space<hbm>> -> memref<1x200x50xf32, #tpu.memory_space<hbm>>
        %dma_wait3A_160 = tpu.memref_squeeze %dma_wait3A_159 : memref<1x200x50xf32, #tpu.memory_space<hbm>> -> memref<200x50xf32, #tpu.memory_space<hbm>>
        tpu.wait_dma2 semaphore(%arg14 : memref<!tpu.dma_semaphore, #tpu.memory_space<semaphore_mem>>) src(%arg9 : memref<200x50xf32, #tpu.memory_space<vmem>>) dst(%dma_wait3A_160 : memref<200x50xf32, #tpu.memory_space<hbm>>)
      } else {
      }
      %scan3A_94 = arith.constant 0 : i32
      %scan3A_95 = arith.constant 200 : i32
      %scan3A_96 = arith.addi %scan3A_94, %scan3A_95 : i32
      %scan3A_97 = arith.constant 1 : i32
      scf.for %scan3A_151 = %scan3A_94 to %scan3A_96 step %scan3A_97  : i32 {
        %mul3A_152 = arith.constant 1 : i32
        %mul3A_153 = arith.muli %scan3A_151, %mul3A_152 : i32
        %add3A_154 = arith.constant 0 : i32
        %add3A_155 = arith.addi %add3A_154, %mul3A_153 : i32
        %get3A = arith.index_cast %add3A_155 : i32 to index
        %get3A_156 = arith.constant 0 : index
        %get3A_157 = tpu.vector_load %arg7[%get3A, %get3A_156] {strides = array<i32>} : memref<200x64xf32, #tpu.memory_space<vmem>>, vector<1x16xf32>,
        %get3A_158 = vector.shape_cast %get3A_157 : vector<1x16xf32> to vector<1x16xf32>
        %get3A_159 = arith.index_cast %add3A_155 : i32 to index
        %get3A_160 = arith.constant 0 : index
        %get3A_161 = tpu.vector_load %arg11[%get3A_159, %get3A_160] {strides = array<i32>} : memref<200x50xf32, #tpu.memory_space<vmem>>, vector<1x16xf32>,
        %get3A_162 = vector.shape_cast %get3A_161 : vector<1x16xf32> to vector<1x16xf32>
        %add3A_163 = arith.addf %get3A_158, %get3A_162 : vector<1x16xf32>
        %swap3A = arith.index_cast %add3A_155 : i32 to index
        %swap3A_164 = arith.constant 0 : index
        %swap3A_165 = tpu.vector_load %arg9[%swap3A, %swap3A_164] {strides = array<i32>} : memref<200x50xf32, #tpu.memory_space<vmem>>, vector<1x16xf32>,
        %swap3A_166 = vector.shape_cast %swap3A_165 : vector<1x16xf32> to vector<1x16xf32>
        %swap3A_167 = vector.shape_cast %add3A_163 : vector<1x16xf32> to vector<1x16xf32>
        tpu.vector_store %arg9[%swap3A, %swap3A_164], %swap3A_167 {strides = array<i32>} : memref<200x50xf32, #tpu.memory_space<vmem>>, vector<1x16xf32>,
        %get3A_168 = arith.index_cast %add3A_155 : i32 to index
        %get3A_169 = arith.constant 16 : index
        %get3A_170 = tpu.vector_load %arg7[%get3A_168, %get3A_169] {strides = array<i32>} : memref<200x64xf32, #tpu.memory_space<vmem>>, vector<1x16xf32>,
        %get3A_171 = vector.shape_cast %get3A_170 : vector<1x16xf32> to vector<1x16xf32>
        %get3A_172 = arith.index_cast %add3A_155 : i32 to index
        %get3A_173 = arith.constant 16 : index
        %get3A_174 = tpu.vector_load %arg11[%get3A_172, %get3A_173] {strides = array<i32>} : memref<200x50xf32, #tpu.memory_space<vmem>>, vector<1x16xf32>,
        %get3A_175 = vector.shape_cast %get3A_174 : vector<1x16xf32> to vector<1x16xf32>
        %add3A_176 = arith.addf %get3A_171, %get3A_175 : vector<1x16xf32>
        %swap3A_177 = arith.index_cast %add3A_155 : i32 to index
        %swap3A_178 = arith.constant 16 : index
        %swap3A_179 = tpu.vector_load %arg9[%swap3A_177, %swap3A_178] {strides = array<i32>} : memref<200x50xf32, #tpu.memory_space<vmem>>, vector<1x16xf32>,
        %swap3A_180 = vector.shape_cast %swap3A_179 : vector<1x16xf32> to vector<1x16xf32>
        %swap3A_181 = vector.shape_cast %add3A_176 : vector<1x16xf32> to vector<1x16xf32>
        tpu.vector_store %arg9[%swap3A_177, %swap3A_178], %swap3A_181 {strides = array<i32>} : memref<200x50xf32, #tpu.memory_space<vmem>>, vector<1x16xf32>,
        %get3A_182 = arith.index_cast %add3A_155 : i32 to index
        %get3A_183 = arith.constant 32 : index
        %get3A_184 = tpu.vector_load %arg7[%get3A_182, %get3A_183] {strides = array<i32>} : memref<200x64xf32, #tpu.memory_space<vmem>>, vector<1x16xf32>,
        %get3A_185 = vector.shape_cast %get3A_184 : vector<1x16xf32> to vector<1x16xf32>
        %get3A_186 = arith.index_cast %add3A_155 : i32 to index
        %get3A_187 = arith.constant 32 : index
        %get3A_188 = tpu.vector_load %arg11[%get3A_186, %get3A_187] {strides = array<i32>} : memref<200x50xf32, #tpu.memory_space<vmem>>, vector<1x16xf32>,
        %get3A_189 = vector.shape_cast %get3A_188 : vector<1x16xf32> to vector<1x16xf32>
        %add3A_190 = arith.addf %get3A_185, %get3A_189 : vector<1x16xf32>
        %swap3A_191 = arith.index_cast %add3A_155 : i32 to index
        %swap3A_192 = arith.constant 32 : index
        %swap3A_193 = tpu.vector_load %arg9[%swap3A_191, %swap3A_192] {strides = array<i32>} : memref<200x50xf32, #tpu.memory_space<vmem>>, vector<1x16xf32>,
        %swap3A_194 = vector.shape_cast %swap3A_193 : vector<1x16xf32> to vector<1x16xf32>
        %swap3A_195 = vector.shape_cast %add3A_190 : vector<1x16xf32> to vector<1x16xf32>
        tpu.vector_store %arg9[%swap3A_191, %swap3A_192], %swap3A_195 {strides = array<i32>} : memref<200x50xf32, #tpu.memory_space<vmem>>, vector<1x16xf32>,
        %get3A_196 = arith.index_cast %add3A_155 : i32 to index
        %get3A_197 = arith.constant 34 : index
        %get3A_198 = tpu.vector_load %arg7[%get3A_196, %get3A_197] {strides = array<i32>} : memref<200x64xf32, #tpu.memory_space<vmem>>, vector<1x16xf32>,
        %get3A_199 = vector.shape_cast %get3A_198 : vector<1x16xf32> to vector<1x16xf32>
        %get3A_200 = arith.index_cast %add3A_155 : i32 to index
        %get3A_201 = arith.constant 34 : index
        %get3A_202 = tpu.vector_load %arg11[%get3A_200, %get3A_201] {strides = array<i32>} : memref<200x50xf32, #tpu.memory_space<vmem>>, vector<1x16xf32>,
        %get3A_203 = vector.shape_cast %get3A_202 : vector<1x16xf32> to vector<1x16xf32>
        %add3A_204 = arith.addf %get3A_199, %get3A_203 : vector<1x16xf32>
        %swap3A_205 = arith.index_cast %add3A_155 : i32 to index
        %swap3A_206 = arith.constant 34 : index
        %swap3A_207 = tpu.vector_load %arg9[%swap3A_205, %swap3A_206] {strides = array<i32>} : memref<200x50xf32, #tpu.memory_space<vmem>>, vector<1x16xf32>,
        %swap3A_208 = vector.shape_cast %swap3A_207 : vector<1x16xf32> to vector<1x16xf32>
        %swap3A_209 = vector.shape_cast %add3A_204 : vector<1x16xf32> to vector<1x16xf32>
        tpu.vector_store %arg9[%swap3A_205, %swap3A_206], %swap3A_209 {strides = array<i32>} : memref<200x50xf32, #tpu.memory_space<vmem>>, vector<1x16xf32>,
      }
      %scan3A_98 = arith.constant 200 : i32
      %add3A_99 = arith.addi %mul3A_4, %mul3A_49 : i32
      %dma_start3A_100 = arith.constant 0 : i32
      %dma_start3A_101 = arith.constant 0 : i32
      %dma_start3A_102 = tpu.memref_slice %arg5[%add3A_99, %dma_start3A_100, %dma_start3A_101] : memref<1024x200x50xf32, #tpu.memory_space<hbm>> -> memref<1x200x50xf32, #tpu.memory_space<hbm>>
      %dma_start3A_103 = tpu.memref_squeeze %dma_start3A_102 : memref<1x200x50xf32, #tpu.memory_space<hbm>> -> memref<200x50xf32, #tpu.memory_space<hbm>>
      %dma_start3A_104 = arith.constant 0 : i32
      %dma_start3A_105 = arith.constant 0 : i32
      %dma_start3A_106 = tpu.memref_slice %arg5[%add3A_99, %dma_start3A_104, %dma_start3A_105] : memref<1024x200x50xf32, #tpu.memory_space<hbm>> -> memref<1x200x50xf32, #tpu.memory_space<hbm>>
      %dma_start3A_107 = tpu.memref_squeeze %dma_start3A_106 : memref<1x200x50xf32, #tpu.memory_space<hbm>> -> memref<200x50xf32, #tpu.memory_space<hbm>>
      tpu.enqueue_dma source(%arg9 : memref<200x50xf32, #tpu.memory_space<vmem>>) target(%dma_start3A_107 : memref<200x50xf32, #tpu.memory_space<hbm>>) target_semaphore(%arg14 : memref<!tpu.dma_semaphore, #tpu.memory_space<semaphore_mem>>)
      %mul3A_108 = arith.constant 200 : i32
      %mul3A_109 = arith.muli %add3A_51, %mul3A_108 : i32
      %mul3A_110 = arith.constant 200 : i32
      %mul3A_111 = arith.muli %add3A_51, %mul3A_110 : i32
      %add3A_112 = arith.constant 128 : i32
      %add3A_113 = arith.addi %mul3A_111, %add3A_112 : i32
      %dma_wait3A_114 = arith.constant 0 : i32
      %dma_wait3A_115 = arith.constant 0 : i32
      %dma_wait3A_116 = tpu.memref_slice %arg8[%dma_wait3A_114, %dma_wait3A_115] : memref<200x64xf32, #tpu.memory_space<vmem>> -> memref<128x64xf32, #tpu.memory_space<vmem>>
      %dma_wait3A_117 = tpu.memref_slice %arg6[%mul3A_109] : memref<6400xi32, #tpu.memory_space<vmem>> -> memref<128xi32, #tpu.memory_space<vmem>>
      %dma_wait3A_118 = arith.constant 0 : i32
      %dma_wait3A_119 = arith.constant 0 : i32
      %dma_wait3A_120 = tpu.memref_slice %arg3[%dma_wait3A_118, %dma_wait3A_119] : memref<400000x64xf32, #tpu.memory_space<hbm>> -> memref<400000x64xf32, #tpu.memory_space<hbm>>
      tpu.wait_indirect_dma semaphore(%arg13 : memref<!tpu.dma_semaphore, #tpu.memory_space<semaphore_mem>>) src(%dma_wait3A_120 : memref<400000x64xf32, #tpu.memory_space<hbm>>) dst(%dma_wait3A_116 : memref<128x64xf32, #tpu.memory_space<vmem>>)
      %dma_wait3A_121 = arith.constant 128 : i32
      %dma_wait3A_122 = arith.constant 0 : i32
      %dma_wait3A_123 = tpu.memref_slice %arg8[%dma_wait3A_121, %dma_wait3A_122] : memref<200x64xf32, #tpu.memory_space<vmem>> -> memref<72x64xf32, #tpu.memory_space<vmem>>
      %dma_wait3A_124 = tpu.memref_slice %arg6[%add3A_113] : memref<6400xi32, #tpu.memory_space<vmem>> -> memref<72xi32, #tpu.memory_space<vmem>>
      %dma_wait3A_125 = arith.constant 0 : i32
      %dma_wait3A_126 = arith.constant 0 : i32
      %dma_wait3A_127 = tpu.memref_slice %arg3[%dma_wait3A_125, %dma_wait3A_126] : memref<400000x64xf32, #tpu.memory_space<hbm>> -> memref<400000x64xf32, #tpu.memory_space<hbm>>
      tpu.wait_indirect_dma semaphore(%arg13 : memref<!tpu.dma_semaphore, #tpu.memory_space<semaphore_mem>>) src(%dma_wait3A_127 : memref<400000x64xf32, #tpu.memory_space<hbm>>) dst(%dma_wait3A_123 : memref<72x64xf32, #tpu.memory_space<vmem>>)
      %lt3A = arith.constant 31 : i32
      %lt3A_128 = arith.cmpi slt, %add3A_51, %lt3A : i32
      %convert_element_type3A_129 = arith.extui %lt3A_128 : i1 to i32
      %cond3A_130 = arith.constant 0 : i32
      %cond3A_131 = arith.cmpi ne, %convert_element_type3A_129, %cond3A_130 : i32
      scf.if %cond3A_131 {
        %add3A_151 = arith.constant 1 : i32
        %add3A_152 = arith.addi %add3A_51, %add3A_151 : i32
        %mul3A_153 = arith.constant 200 : i32
        %mul3A_154 = arith.muli %add3A_152, %mul3A_153 : i32
        %mul3A_155 = arith.constant 200 : i32
        %mul3A_156 = arith.muli %add3A_152, %mul3A_155 : i32
        %add3A_157 = arith.constant 128 : i32
        %add3A_158 = arith.addi %mul3A_156, %add3A_157 : i32
        %dma_start3A_159 = arith.constant 0 : i32
        %dma_start3A_160 = arith.constant 0 : i32
        %dma_start3A_161 = tpu.memref_slice %arg7[%dma_start3A_159, %dma_start3A_160] : memref<200x64xf32, #tpu.memory_space<vmem>> -> memref<128x64xf32, #tpu.memory_space<vmem>>
        %dma_start3A_162 = tpu.memref_slice %arg6[%mul3A_154] : memref<6400xi32, #tpu.memory_space<vmem>> -> memref<128xi32, #tpu.memory_space<vmem>>
        %dma_start3A_163 = arith.constant 0 : i32
        %dma_start3A_164 = arith.constant 0 : i32
        %dma_start3A_165 = tpu.memref_slice %arg3[%dma_start3A_163, %dma_start3A_164] : memref<400000x64xf32, #tpu.memory_space<hbm>> -> memref<400000x64xf32, #tpu.memory_space<hbm>>
        tpu.enqueue_indirect_dma source(%dma_start3A_165 : memref<400000x64xf32, #tpu.memory_space<hbm>>) target(%dma_start3A_161 : memref<128x64xf32, #tpu.memory_space<vmem>>) offsets(%dma_start3A_162 : memref<128xi32, #tpu.memory_space<vmem>>) semaphore(%arg12 : memref<!tpu.dma_semaphore, #tpu.memory_space<semaphore_mem>>)
        %dma_start3A_166 = arith.constant 128 : i32
        %dma_start3A_167 = arith.constant 0 : i32
        %dma_start3A_168 = tpu.memref_slice %arg7[%dma_start3A_166, %dma_start3A_167] : memref<200x64xf32, #tpu.memory_space<vmem>> -> memref<72x64xf32, #tpu.memory_space<vmem>>
        %dma_start3A_169 = tpu.memref_slice %arg6[%add3A_158] : memref<6400xi32, #tpu.memory_space<vmem>> -> memref<72xi32, #tpu.memory_space<vmem>>
        %dma_start3A_170 = arith.constant 0 : i32
        %dma_start3A_171 = arith.constant 0 : i32
        %dma_start3A_172 = tpu.memref_slice %arg3[%dma_start3A_170, %dma_start3A_171] : memref<400000x64xf32, #tpu.memory_space<hbm>> -> memref<400000x64xf32, #tpu.memory_space<hbm>>
        tpu.enqueue_indirect_dma source(%dma_start3A_172 : memref<400000x64xf32, #tpu.memory_space<hbm>>) target(%dma_start3A_168 : memref<72x64xf32, #tpu.memory_space<vmem>>) offsets(%dma_start3A_169 : memref<72xi32, #tpu.memory_space<vmem>>) semaphore(%arg12 : memref<!tpu.dma_semaphore, #tpu.memory_space<semaphore_mem>>)
      } else {
      }
      %gt3A_132 = arith.constant 0 : i32
      %gt3A_133 = arith.cmpi sgt, %add3A_47, %gt3A_132 : i32
      %convert_element_type3A_134 = arith.extui %gt3A_133 : i1 to i32
      %cond3A_135 = arith.constant 0 : i32
      %cond3A_136 = arith.cmpi ne, %convert_element_type3A_134, %cond3A_135 : i32
      scf.if %cond3A_136 {
        %sub3A = arith.constant 2 : i32
        %sub3A_151 = arith.subi %add3A_51, %sub3A : i32
        %add3A_152 = arith.addi %mul3A_4, %sub3A_151 : i32
        %dma_wait3A_153 = arith.constant 0 : i32
        %dma_wait3A_154 = arith.constant 0 : i32
        %dma_wait3A_155 = tpu.memref_slice %arg5[%add3A_152, %dma_wait3A_153, %dma_wait3A_154] : memref<1024x200x50xf32, #tpu.memory_space<hbm>> -> memref<1x200x50xf32, #tpu.memory_space<hbm>>
        %dma_wait3A_156 = tpu.memref_squeeze %dma_wait3A_155 : memref<1x200x50xf32, #tpu.memory_space<hbm>> -> memref<200x50xf32, #tpu.memory_space<hbm>>
        %dma_wait3A_157 = arith.constant 0 : i32
        %dma_wait3A_158 = arith.constant 0 : i32
        %dma_wait3A_159 = tpu.memref_slice %arg5[%add3A_152, %dma_wait3A_157, %dma_wait3A_158] : memref<1024x200x50xf32, #tpu.memory_space<hbm>> -> memref<1x200x50xf32, #tpu.memory_space<hbm>>
        %dma_wait3A_160 = tpu.memref_squeeze %dma_wait3A_159 : memref<1x200x50xf32, #tpu.memory_space<hbm>> -> memref<200x50xf32, #tpu.memory_space<hbm>>
        tpu.wait_dma2 semaphore(%arg15 : memref<!tpu.dma_semaphore, #tpu.memory_space<semaphore_mem>>) src(%arg10 : memref<200x50xf32, #tpu.memory_space<vmem>>) dst(%dma_wait3A_160 : memref<200x50xf32, #tpu.memory_space<hbm>>)
      } else {
      }
      %scan3A_137 = arith.constant 0 : i32
      %scan3A_138 = arith.constant 200 : i32
      %scan3A_139 = arith.addi %scan3A_137, %scan3A_138 : i32
      %scan3A_140 = arith.constant 1 : i32
      scf.for %scan3A_151 = %scan3A_137 to %scan3A_139 step %scan3A_140  : i32 {
        %mul3A_152 = arith.constant 1 : i32
        %mul3A_153 = arith.muli %scan3A_151, %mul3A_152 : i32
        %add3A_154 = arith.constant 0 : i32
        %add3A_155 = arith.addi %add3A_154, %mul3A_153 : i32
        %get3A = arith.index_cast %add3A_155 : i32 to index
        %get3A_156 = arith.constant 0 : index
        %get3A_157 = tpu.vector_load %arg8[%get3A, %get3A_156] {strides = array<i32>} : memref<200x64xf32, #tpu.memory_space<vmem>>, vector<1x16xf32>,
        %get3A_158 = vector.shape_cast %get3A_157 : vector<1x16xf32> to vector<1x16xf32>
        %get3A_159 = arith.index_cast %add3A_155 : i32 to index
        %get3A_160 = arith.constant 0 : index
        %get3A_161 = tpu.vector_load %arg11[%get3A_159, %get3A_160] {strides = array<i32>} : memref<200x50xf32, #tpu.memory_space<vmem>>, vector<1x16xf32>,
        %get3A_162 = vector.shape_cast %get3A_161 : vector<1x16xf32> to vector<1x16xf32>
        %add3A_163 = arith.addf %get3A_158, %get3A_162 : vector<1x16xf32>
        %swap3A = arith.index_cast %add3A_155 : i32 to index
        %swap3A_164 = arith.constant 0 : index
        %swap3A_165 = tpu.vector_load %arg10[%swap3A, %swap3A_164] {strides = array<i32>} : memref<200x50xf32, #tpu.memory_space<vmem>>, vector<1x16xf32>,
        %swap3A_166 = vector.shape_cast %swap3A_165 : vector<1x16xf32> to vector<1x16xf32>
        %swap3A_167 = vector.shape_cast %add3A_163 : vector<1x16xf32> to vector<1x16xf32>
        tpu.vector_store %arg10[%swap3A, %swap3A_164], %swap3A_167 {strides = array<i32>} : memref<200x50xf32, #tpu.memory_space<vmem>>, vector<1x16xf32>,
        %get3A_168 = arith.index_cast %add3A_155 : i32 to index
        %get3A_169 = arith.constant 16 : index
        %get3A_170 = tpu.vector_load %arg8[%get3A_168, %get3A_169] {strides = array<i32>} : memref<200x64xf32, #tpu.memory_space<vmem>>, vector<1x16xf32>,
        %get3A_171 = vector.shape_cast %get3A_170 : vector<1x16xf32> to vector<1x16xf32>
        %get3A_172 = arith.index_cast %add3A_155 : i32 to index
        %get3A_173 = arith.constant 16 : index
        %get3A_174 = tpu.vector_load %arg11[%get3A_172, %get3A_173] {strides = array<i32>} : memref<200x50xf32, #tpu.memory_space<vmem>>, vector<1x16xf32>,
        %get3A_175 = vector.shape_cast %get3A_174 : vector<1x16xf32> to vector<1x16xf32>
        %add3A_176 = arith.addf %get3A_171, %get3A_175 : vector<1x16xf32>
        %swap3A_177 = arith.index_cast %add3A_155 : i32 to index
        %swap3A_178 = arith.constant 16 : index
        %swap3A_179 = tpu.vector_load %arg10[%swap3A_177, %swap3A_178] {strides = array<i32>} : memref<200x50xf32, #tpu.memory_space<vmem>>, vector<1x16xf32>,
        %swap3A_180 = vector.shape_cast %swap3A_179 : vector<1x16xf32> to vector<1x16xf32>
        %swap3A_181 = vector.shape_cast %add3A_176 : vector<1x16xf32> to vector<1x16xf32>
        tpu.vector_store %arg10[%swap3A_177, %swap3A_178], %swap3A_181 {strides = array<i32>} : memref<200x50xf32, #tpu.memory_space<vmem>>, vector<1x16xf32>,
        %get3A_182 = arith.index_cast %add3A_155 : i32 to index
        %get3A_183 = arith.constant 32 : index
        %get3A_184 = tpu.vector_load %arg8[%get3A_182, %get3A_183] {strides = array<i32>} : memref<200x64xf32, #tpu.memory_space<vmem>>, vector<1x16xf32>,
        %get3A_185 = vector.shape_cast %get3A_184 : vector<1x16xf32> to vector<1x16xf32>
        %get3A_186 = arith.index_cast %add3A_155 : i32 to index
        %get3A_187 = arith.constant 32 : index
        %get3A_188 = tpu.vector_load %arg11[%get3A_186, %get3A_187] {strides = array<i32>} : memref<200x50xf32, #tpu.memory_space<vmem>>, vector<1x16xf32>,
        %get3A_189 = vector.shape_cast %get3A_188 : vector<1x16xf32> to vector<1x16xf32>
        %add3A_190 = arith.addf %get3A_185, %get3A_189 : vector<1x16xf32>
        %swap3A_191 = arith.index_cast %add3A_155 : i32 to index
        %swap3A_192 = arith.constant 32 : index
        %swap3A_193 = tpu.vector_load %arg10[%swap3A_191, %swap3A_192] {strides = array<i32>} : memref<200x50xf32, #tpu.memory_space<vmem>>, vector<1x16xf32>,
        %swap3A_194 = vector.shape_cast %swap3A_193 : vector<1x16xf32> to vector<1x16xf32>
        %swap3A_195 = vector.shape_cast %add3A_190 : vector<1x16xf32> to vector<1x16xf32>
        tpu.vector_store %arg10[%swap3A_191, %swap3A_192], %swap3A_195 {strides = array<i32>} : memref<200x50xf32, #tpu.memory_space<vmem>>, vector<1x16xf32>,
        %get3A_196 = arith.index_cast %add3A_155 : i32 to index
        %get3A_197 = arith.constant 34 : index
        %get3A_198 = tpu.vector_load %arg8[%get3A_196, %get3A_197] {strides = array<i32>} : memref<200x64xf32, #tpu.memory_space<vmem>>, vector<1x16xf32>,
        %get3A_199 = vector.shape_cast %get3A_198 : vector<1x16xf32> to vector<1x16xf32>
        %get3A_200 = arith.index_cast %add3A_155 : i32 to index
        %get3A_201 = arith.constant 34 : index
        %get3A_202 = tpu.vector_load %arg11[%get3A_200, %get3A_201] {strides = array<i32>} : memref<200x50xf32, #tpu.memory_space<vmem>>, vector<1x16xf32>,
        %get3A_203 = vector.shape_cast %get3A_202 : vector<1x16xf32> to vector<1x16xf32>
        %add3A_204 = arith.addf %get3A_199, %get3A_203 : vector<1x16xf32>
        %swap3A_205 = arith.index_cast %add3A_155 : i32 to index
        %swap3A_206 = arith.constant 34 : index
        %swap3A_207 = tpu.vector_load %arg10[%swap3A_205, %swap3A_206] {strides = array<i32>} : memref<200x50xf32, #tpu.memory_space<vmem>>, vector<1x16xf32>,
        %swap3A_208 = vector.shape_cast %swap3A_207 : vector<1x16xf32> to vector<1x16xf32>
        %swap3A_209 = vector.shape_cast %add3A_204 : vector<1x16xf32> to vector<1x16xf32>
        tpu.vector_store %arg10[%swap3A_205, %swap3A_206], %swap3A_209 {strides = array<i32>} : memref<200x50xf32, #tpu.memory_space<vmem>>, vector<1x16xf32>,
      }
      %scan3A_141 = arith.constant 200 : i32
      %add3A_142 = arith.addi %mul3A_4, %add3A_51 : i32
      %dma_start3A_143 = arith.constant 0 : i32
      %dma_start3A_144 = arith.constant 0 : i32
      %dma_start3A_145 = tpu.memref_slice %arg5[%add3A_142, %dma_start3A_143, %dma_start3A_144] : memref<1024x200x50xf32, #tpu.memory_space<hbm>> -> memref<1x200x50xf32, #tpu.memory_space<hbm>>
      %dma_start3A_146 = tpu.memref_squeeze %dma_start3A_145 : memref<1x200x50xf32, #tpu.memory_space<hbm>> -> memref<200x50xf32, #tpu.memory_space<hbm>>
      %dma_start3A_147 = arith.constant 0 : i32
      %dma_start3A_148 = arith.constant 0 : i32
      %dma_start3A_149 = tpu.memref_slice %arg5[%add3A_142, %dma_start3A_147, %dma_start3A_148] : memref<1024x200x50xf32, #tpu.memory_space<hbm>> -> memref<1x200x50xf32, #tpu.memory_space<hbm>>
      %dma_start3A_150 = tpu.memref_squeeze %dma_start3A_149 : memref<1x200x50xf32, #tpu.memory_space<hbm>> -> memref<200x50xf32, #tpu.memory_space<hbm>>
      tpu.enqueue_dma source(%arg10 : memref<200x50xf32, #tpu.memory_space<vmem>>) target(%dma_start3A_150 : memref<200x50xf32, #tpu.memory_space<hbm>>) target_semaphore(%arg15 : memref<!tpu.dma_semaphore, #tpu.memory_space<semaphore_mem>>)
    }
    %scan3A_23 = arith.constant 16 : i32
    %add3A_24 = arith.constant 30 : i32
    %add3A_25 = arith.addi %mul3A_4, %add3A_24 : i32
    %dma_wait3A = arith.constant 0 : i32
    %dma_wait3A_26 = arith.constant 0 : i32
    %dma_wait3A_27 = tpu.memref_slice %arg5[%add3A_25, %dma_wait3A, %dma_wait3A_26] : memref<1024x200x50xf32, #tpu.memory_space<hbm>> -> memref<1x200x50xf32, #tpu.memory_space<hbm>>
    %dma_wait3A_28 = tpu.memref_squeeze %dma_wait3A_27 : memref<1x200x50xf32, #tpu.memory_space<hbm>> -> memref<200x50xf32, #tpu.memory_space<hbm>>
    %dma_wait3A_29 = arith.constant 0 : i32
    %dma_wait3A_30 = arith.constant 0 : i32
    %dma_wait3A_31 = tpu.memref_slice %arg5[%add3A_25, %dma_wait3A_29, %dma_wait3A_30] : memref<1024x200x50xf32, #tpu.memory_space<hbm>> -> memref<1x200x50xf32, #tpu.memory_space<hbm>>
    %dma_wait3A_32 = tpu.memref_squeeze %dma_wait3A_31 : memref<1x200x50xf32, #tpu.memory_space<hbm>> -> memref<200x50xf32, #tpu.memory_space<hbm>>
    tpu.wait_dma2 semaphore(%arg14 : memref<!tpu.dma_semaphore, #tpu.memory_space<semaphore_mem>>) src(%arg9 : memref<200x50xf32, #tpu.memory_space<vmem>>) dst(%dma_wait3A_32 : memref<200x50xf32, #tpu.memory_space<hbm>>)
    %add3A_33 = arith.constant 31 : i32
    %add3A_34 = arith.addi %mul3A_4, %add3A_33 : i32
    %dma_wait3A_35 = arith.constant 0 : i32
    %dma_wait3A_36 = arith.constant 0 : i32
    %dma_wait3A_37 = tpu.memref_slice %arg5[%add3A_34, %dma_wait3A_35, %dma_wait3A_36] : memref<1024x200x50xf32, #tpu.memory_space<hbm>> -> memref<1x200x50xf32, #tpu.memory_space<hbm>>
    %dma_wait3A_38 = tpu.memref_squeeze %dma_wait3A_37 : memref<1x200x50xf32, #tpu.memory_space<hbm>> -> memref<200x50xf32, #tpu.memory_space<hbm>>
    %dma_wait3A_39 = arith.constant 0 : i32
    %dma_wait3A_40 = arith.constant 0 : i32
    %dma_wait3A_41 = tpu.memref_slice %arg5[%add3A_34, %dma_wait3A_39, %dma_wait3A_40] : memref<1024x200x50xf32, #tpu.memory_space<hbm>> -> memref<1x200x50xf32, #tpu.memory_space<hbm>>
    %dma_wait3A_42 = tpu.memref_squeeze %dma_wait3A_41 : memref<1x200x50xf32, #tpu.memory_space<hbm>> -> memref<200x50xf32, #tpu.memory_space<hbm>>
    tpu.wait_dma2 semaphore(%arg15 : memref<!tpu.dma_semaphore, #tpu.memory_space<semaphore_mem>>) src(%arg10 : memref<200x50xf32, #tpu.memory_space<vmem>>) dst(%dma_wait3A_42 : memref<200x50xf32, #tpu.memory_space<hbm>>)
    return
  }
}

</mosaic_0001>

<sc_bundles>
// kernel: kernel.3.cloned.1.call-start
scs
__scs_entry_jumppad:
0x0: {  	(pc) =	sbr.rel $0x88, $3  }
0x1: {  	(tag) =	ssettag $0x0;
	lr =	simm.s32 $0x1  }
0x2: {  	[smem:$0x3F9E] =	sst lr;
	_ =	strace $0xD0000000  }
0x3: {  	_ = 	snop  }
0x4: {  	_ = 	snop  }
0x5: {  	_ = 	snop  }
0x6: {  	_ = 	snop  }
0x7: {  	_ = 	snop  }
__scs_overlays_trampoline_lowered:
0x8: {  	[smem:$0x3FAD] =	sst s0  }
0x9: {  	[smem:$0x3FAE] =	sst s1  }
0xa: {  	[smem:$0x3FAF] =	sst s2  }
0xb: {  	[smem:$0x3FB0] =	sst s3  }
0xc: {  	[smem:$0x3FB1] =	sst s4  }
0xd: {  	[smem:$0x3FB2] =	sst s5  }
0xe: {  	[smem:$0x3FB3] =	sst s6  }
0xf: {  	[smem:$0x3FB4] =	sst s7  }
0x10: {  	[smem:$0x3FB5] =	sst s8  }
0x11: {  	[smem:$0x3FB6] =	sst s9;
	s0 =	simm.s32 @!p0 $0x0  }
0x12: {  	s1 =	sld [smem:$0x3F9C];
	s0 =	simm.s32 @p0 $0x1  }
0x13: {  	[smem:$0x3FB7] =	sst s0;
	s0 =	simm.s32 @!p1 $0x0  }
0x14: {  	s2 =	sld [smem:$0x3F9B];
	s0 =	simm.s32 @p1 $0x1  }
0x15: {  	[smem:$0x3FB8] =	sst s0;
	s0 =	simm.s32 @!p2 $0x0  }
0x16: {  	s3 =	sld [smem:$0x3FDB];
	s0 =	simm.s32 @p2 $0x1  }
0x17: {  	s4 =	simm.s32 $0x1BF5;
	[smem:$0x3FBA] =	sst s0  }
0x18: {  	s0 =	sld [smem:$0x3F9D];
	_ =	swait.ge [sflag:s4], $0x0  }
0x19: {  	s7 =	sld [smem:$0x3F9E]  }
0x1a: {  	s8 =	sadd.s32 $0xFFFFE003, lr  }
0x1b: {  	s9 =	sadd.s32 $0xFFFFFEF7, lr;
	s5 =	simm.s32 $0xFFFFFFFF;
	p2 =	slt.u32 s8, $0xFFFFF086  }
0x1c: {  	p1 =	slt.u32 s9, $0xF7A;
	s5 =	simm.s32 @!p2 $0x0  }
0x1d: {  	s5 =	simm.s32 @p1 $0x1;
	p0 =	seq.s32 s7, s2  }
0x1e: {  	s7 =	smul.u32 @!p0 $0xF7A, s2;
	p2 =	seq.s32 @!p0 s5, $0x0  }
0x1f: {  	s9 =	smul.u32 $0xF7A, s1;
	s8 =	simm.s32 @!p0 $0x1BF5;
	p2 =	por !p2, p0  }
0x20: {  	[sflag:s8] =	ssyncset.s32 @!p0 $0xFFFFF086;
	s6 =	sadd.s32 @!p0 s3, s7;
	s7 =	simm.s32 @!p0 $0x108  }
0x21: {  	s3 =	sadd.s32 s3, s9;
	s6 =	sadd.s32 @!p0 $0x88, s6;
	s7 =	simm.s32 @p2 $0x1082  }
0x22: {  	[simem:s7], [sflag:s8] =	dma.local @!p0 [hbm:s6], $0xF7A  }
0x23: {  	s9 =	sor.u32 $0xD0000000, s2;
	s6 =	simm.s32 $0x108;
	_ =	swait.ge @!p0 [sflag:s8], $0x0  }
0x24: {  	s3 =	sadd.s32 $0x88, s3;
	s6 =	simm.s32 @!p1 $0x1082;
	[sflag:s4] =	ssyncset.s32 $0xFFFFF086  }
0x25: {  	[simem:s6], [sflag:s4] =	dma.local [hbm:s3], $0xF7A  }
0x26: {  	[smem:$0x3F9E] =	sst s1;
	(tag) =	ssettag s2;
	_ =	strace s9  }
0x27: {  	s1 =	sld [smem:$0x3FAE]  }
0x28: {  	s2 =	sld [smem:$0x3FAF]  }
0x29: {  	s4 =	sld [smem:$0x3FB1]  }
0x2a: {  	p0 =	seq.s32 s5, $0x0;
	s5 =	sld [smem:$0x3FB2]  }
0x2b: {  	s6 =	sld [smem:$0x3FB3]  }
0x2c: {  	s7 =	sld [smem:$0x3FB4]  }
0x2d: {  	s3 =	simm.s32 $0x108;
	s8 =	sld [smem:$0x3FB5]  }
0x2e: {  	s3 =	simm.s32 @!p0 $0x1082;
	s9 =	sld [smem:$0x3FB6]  }
0x2f: {  	lr =	sadd.s32 s0, s3;
	s0 =	sld [smem:$0x3FAD]  }
0x30: {  	s3 =	sld [smem:$0x3FB0]  }
0x31: {  	[smem:$0x3FB9] =	sst s10  }
0x32: {  	s10 =	sld [smem:$0x3FB7];
	_ =	sdelay $0x3  }
0x33: {  	p0 =	seq.s32 s10, $0x1;
	s10 =	sld [smem:$0x3FB9];
	_ =	sdelay $0x3  }
0x34: {  	[smem:$0x3FB9] =	sst s10  }
0x35: {  	s10 =	sld [smem:$0x3FB8];
	_ =	sdelay $0x3  }
0x36: {  	p1 =	seq.s32 s10, $0x1;
	s10 =	sld [smem:$0x3FB9];
	_ =	sdelay $0x3  }
0x37: {  	[smem:$0x3FB9] =	sst s10  }
0x38: {  	s10 =	sld [smem:$0x3FBA]  }
0x39: {  	_ = 	snop;
	(pc) =	sbr.ind lr, $3  }
0x3a: {  	_ = 	snop  }
0x3b: {  	_ = 	snop  }
0x3c: {  	p2 =	seq.s32 s10, $0x1;
	s10 =	sld [smem:$0x3FB9]  }
0x3d: {  	_ =	shalt  }
0x3e: {  	_ =	shalt  }
0x3f: {  	_ =	shalt  }
0x40: {  	_ =	shalt  }
0x41: {  	_ =	shalt  }
0x42: {  	_ =	shalt  }
0x43: {  	_ =	shalt  }
0x44: {  	_ =	shalt  }
0x45: {  	_ =	shalt  }
0x46: {  	_ =	shalt  }
0x47: {  	_ =	shalt  }
0x48: {  	_ =	shalt  }
0x49: {  	_ =	shalt  }
0x4a: {  	_ =	shalt  }
0x4b: {  	_ =	shalt  }
0x4c: {  	_ =	shalt  }
0x4d: {  	_ =	shalt  }
0x4e: {  	_ =	shalt  }
0x4f: {  	_ =	shalt  }
0x50: {  	_ =	shalt  }
0x51: {  	_ =	shalt  }
0x52: {  	_ =	shalt  }
0x53: {  	_ =	shalt  }
0x54: {  	_ =	shalt  }
0x55: {  	_ =	shalt  }
0x56: {  	_ =	shalt  }
0x57: {  	_ =	shalt  }
0x58: {  	_ =	shalt  }
0x59: {  	_ =	shalt  }
0x5a: {  	_ =	shalt  }
0x5b: {  	_ =	shalt  }
0x5c: {  	_ =	shalt  }
0x5d: {  	_ =	shalt  }
0x5e: {  	_ =	shalt  }
0x5f: {  	_ =	shalt  }
0x60: {  	_ =	shalt  }
0x61: {  	_ =	shalt  }
0x62: {  	_ =	shalt  }
0x63: {  	_ =	shalt  }
0x64: {  	_ =	shalt  }
0x65: {  	_ =	shalt  }
0x66: {  	_ =	shalt  }
0x67: {  	_ =	shalt  }
0x68: {  	_ =	shalt  }
0x69: {  	_ =	shalt  }
0x6a: {  	_ =	shalt  }
0x6b: {  	_ =	shalt  }
0x6c: {  	_ =	shalt  }
0x6d: {  	_ =	shalt  }
0x6e: {  	_ =	shalt  }
0x6f: {  	_ =	shalt  }
0x70: {  	_ =	shalt  }
0x71: {  	_ =	shalt  }
0x72: {  	_ =	shalt  }
0x73: {  	_ =	shalt  }
0x74: {  	_ =	shalt  }
0x75: {  	_ =	shalt  }
0x76: {  	_ =	shalt  }
0x77: {  	_ =	shalt  }
0x78: {  	_ =	shalt  }
0x79: {  	_ =	shalt  }
0x7a: {  	_ =	shalt  }
0x7b: {  	_ =	shalt  }
0x7c: {  	_ =	shalt  }
0x7d: {  	_ =	shalt  }
0x7e: {  	_ =	shalt  }
0x7f: {  	_ =	shalt  }
0x80: {  	_ =	shalt  }
0x81: {  	_ =	shalt  }
0x82: {  	_ =	shalt  }
0x83: {  	_ =	shalt  }
0x84: {  	_ =	shalt  }
0x85: {  	_ =	shalt  }
0x86: {  	_ =	shalt  }
0x87: {  	_ =	shalt  }
.Lfunc_end0:
.L_simem_size_0:
called_computation.1_lowered:
.L_overlay_start_0:
0x88: {  	s2 =	sld [smem:$0x3FD9]  }
0x89: {  	s3 =	sld [smem:$0x3FFE];
	_ =	sdelay $0x1  }
0x8a: {  	s1 =	srdreg.scid  }
0x8b: {  	s0 =	sand.u32 $0x1, s1  }
0x8c: {  	s17 =	sshll.u32 s0, $0xA;
	s2 =	sadd.s32 s3, s2  }
0x8d: {  	s2 =	sadd.s32 s2, s17  }
0x8e: {  	[smem:$0x3FC5] =	sst s2  }
0x8f: {  	_ = 	snop  }
0x90: {  	s2 =	sld [smem:$0x3FD0];
	(tm) =	ssettm $0x1  }
0x91: {  	s18 =	sld [smem:$0x3FFB];
	_ =	sdelay $0x3  }
0x92: {  	_ =	strace s18  }
0x93: {  	s3 =	sld [smem:$0x3FFC];
	_ =	sdelay $0x3  }
0x94: {  	_ =	strace s3  }
0x95: {  	s3 =	sld [smem:$0x3FFD];
	_ =	sdelay $0x3  }
0x96: {  	_ =	strace s3  }
0x97: {  	_ =	strace $0x8FFFFFFF  }
0x98: {  	s19 =	sld [smem:$0x3FDB];
	_ =	sdelay $0x1  }
0x99: {  	s4 =	simm.s32 $_scs_section_size  }
0x9a: {  	s5 =	simm.s32 $_size__tile_overlayer_lowered;
	s6 =	simm.s32 $_tile_overlayer_lowered  }
0x9b: {  	s22 =	simm.s32 $0x1BFF;
	s21 =	sshll.u32 s6, $0x1;
	s3 =	sadd.s32 s4, s19  }
0x9c: {  	s7 =	simm.s32 $0x0;
	s20 =	sshll.u32 s5, $0x1;
	s5 =	sadd.s32 s21, s3  }
0x9d: {  	[timem:s7], [sflag:s22] =	dma.local [hbm:s5], s20  }
0x9e: {  	_ =	swait.ge [sflag:s22], s20  }
0x9f: {  	s4 =	ssub.s32 $0x0, s20;
	[sflag:s22] =	ssyncset.done $0x0  }
0xa0: {  	[sflag:s22] =	ssyncadd.s32 s4;
	_ =	sdelay $0x1  }
0xa1: {  	s23 =	simm.s32 $0x1B8B  }
0xa2: {  	_ =	swait.ge [sflag:s23], $0x1  }
0xa3: {  	[sflag:s23] =	ssyncset.done $0x0  }
0xa4: {  	s25 =	simm.s32 $0x1B8E;
	s24 =	sld [smem:$0x3FFE];
	[sflag:s23] =	ssyncadd.s32 $0xFFFFFFFF  }
0xa5: {  	s26 =	simm.s32 $execute0_lowered;
	[smem:$0x3FD2] =	sst s25  }
0xa6: {  	s5 =	sshll.u32 s26, $0x1;
	_ =	strace $0x80000046;
	[dreg:$0x1] =	wrdreg $0xFFFFFFFF  }
0xa7: {  	s28 =	simm.s32 $_size_execute0_lowered;
	s3 =	sadd.s32 s3, s5;
	[dreg:$0x0] =	wrdreg $0x0  }
0xa8: {  	s5 =	sshll.u32 s28, $0x1;
	[dreg:$0x2] =	wrdreg s3  }
0xa9: {  	[dreg:$0x3] =	wrdreg s5  }
0xaa: {  	[dreg:$0x4] =	wrdreg $0xC0  }
0xab: {  	_ =	task [dreg:s7], $0x5FFFF  }
0xac: {  	[dreg:$0x1] =	wrdreg $0xFFFFFFFF  }
0xad: {  	[dreg:$0x0] =	wrdreg $0x60  }
0xae: {  	[dreg:$0x2] =	wrdreg s2  }
0xaf: {  	[dreg:$0x3] =	wrdreg s24  }
0xb0: {  	[dreg:$0x4] =	wrdreg $0x9  }
0xb1: {  	_ =	task.clear_ibuf [dreg:s7], $0x5FFFF;
	_ =	strace $0x90000046  }
0xb2: {  	s29 =	simm.s32 $0x9;
	_ =	strace $0x80000048  }
0xb3: {  	_ =	swait.ge [sflag:s29], $0x1  }
0xb4: {  	[sflag:s29] =	ssyncadd.s32 $0xFFFFFFFF  }
0xb5: {  	_ =	strace $0x90000048  }
0xb6: {  	_ =	sfence  }
0xb7: {  	s30 =	sld [smem:$0x0];
	_ =	sdelay $0x2  }
0xb8: {  	s31 =	sshll.u32 s1, $0xD;
	s1 =	sshrl.u32 s1, $0x2  }
0xb9: {  	s3 =	sand.u32 $0x4000, s31;
	s1 =	sadd.s32 s1, s30  }
0xba: {  	s0 =	sor.u32 s3, s0;
	s1 =	sshll.u32 s1, $0x11  }
0xbb: {  	s0 =	sor.u32 s1, s0  }
0xbc: {  	s0 =	sadd.s32 $0x8F2B, s0  }
0xbd: {  	[sflag:s0] =	ssyncadd.remote.s32 $0x1  }
0xbe: {  	_ =	sfence.sel $0xFFFF  }
0xbf: {  	[dreg:$0x0] =	wrdreg $0xFFFFFFFF;
	(pc) =	sbr.abs _section_cstart, $3  }
0xc0: {  	[dreg:$0x1] =	wrdreg $0xFFFFFFFF  }
0xc1: {  	_ =	task.clear_ibuf [dreg:s7], $0x2FFFF;
	_ =	strace $0x9FFFFFFF  }
0xc2: {  	(tm) =	ssettm $0x7FFFFFFF  }
0xc3: {  	_ =	shalt  }
tec
execute0_lowered:
.L_overlay_start_1:
0x0: {  	(tag) =	ssettag $0x1  }
0x1: {  	s7 =	rddreg [dreg:$0x0]  }
0x2: {  	s5 =	rddreg [dreg:$0x1]  }
0x3: {  	s0 =	rddreg [dreg:$0x2]  }
0x4: {  	s2 =	simm.s32 $0x0;
	s3 =	srdreg.scid;
	s1 =	stileid.u32  }
0x5: {  	s11 =	simm.s32 $0x80;
	s12 =	simm.s32 $0x1900;
	s13 =	simm.s32 $0x48  }
0x6: {  	s14 =	simm.s32 $0x3900;
	s15 =	simm.s32 $0x1;
	s16 =	simm.s32 $0x4B00  }
0x7: {  	s17 =	simm.s32 $0x6B00;
	s18 =	simm.s32 $0x7D00;
	s19 =	simm.s32 $0x2  }
0x8: {  	s20 =	simm.s32 $0xA8C0;
	s21 =	simm.s32 $0x3;
	s22 =	simm.s32 $0x4  }
0x9: {  	[smem:$0x7FF] =	sst s2;
	s3 =	sand.u32 $0x1, s3;
	s4 =	sshll.u32 s1, $0x1  }
0xa: {  	s23 =	simm.s32 $0x0;
	_ =	strace $0x80000047;
	s8 =	sor.u32 s3, s4  }
0xb: {  	s6 =	ssub.s32 $0x2, s3;
	s3 =	sadd.s32 $0xE00, s5;
	s10 =	smul.u32 $0x320, s8  }
0xc: {  	s4 =	sadd.s32 $0x30E200, s5;
	s5 =	sadd.s32 $0x30E800, s5;
	s9 =	sshrl.u32 s6, $0x1  }
0xd: {  	s9 =	ssub.s32 s6, s9;
	s6 =	sshll.u32 s8, $0x5;
	s7 =	sadd.s32 s7, s10  }
0xe: {  	s8 =	smax.u32 s9, $0x1;
	s9 =	simm.s32 $0xD480;
	s10 =	simm.s32 $0x5  }
.LBB2_1:
0xf: {  	[tilespmem:s9], [sflag:$0x5] =	stream.linear.gather [hbm4b:s4+s2], $0x2BC0, $0x38;
	[tilespmem:$0x10040] =	vst v63  }
0x10: {  	_ =	swait.ge [sflag:s10], $0x2BC0  }
0x11: {  	[sflag:s10] =	ssyncset.done $0x0  }
0x12: {  	[sflag:s10] =	ssyncadd.s32 $0xFFFFD440  }
0x13: {  	[tilespmem:s2], [sflag:$0x5] =	stream.linear.gather [hbm4b:s7+s2], $0x1900, $0x38;
	[tilespmem:$0x10040] =	vst v63  }
0x14: {  	_ =	swait.ge [sflag:s10], $0x1900  }
0x15: {  	[sflag:s10] =	ssyncset.done $0x0  }
0x16: {  	[sflag:s10] =	ssyncadd.s32 $0xFFFFE700  }
0x17: {  	[tilespmem:s12], [sflag:$0x1] =	stream.indirect.gather [hbm4b:s3+s11], $0x40, s2, s11, $0xb8;
	[tilespmem:$0x10040] =	vst v63  }
0x18: {  	s24 =	simm.s32 $0x0  }
0x19: {  	[tilespmem:s14], [sflag:$0x1] =	stream.indirect.gather [hbm4b:s3+s13], $0x40, s11, s13, $0xb8;
	[tilespmem:$0x10040] =	vst v63  }
.LBB2_2:
0x1a: {  	_ =	swait.ge [sflag:s15], $0x2000  }
0x1b: {  	[sflag:s15] =	ssyncset.done $0x0  }
0x1c: {  	s25 =	sshllo.u32 s24, $0x1;
	[sflag:s15] =	ssyncadd.s32 $0xFFFFE000  }
0x1d: {  	s26 =	smul.u32 $0x320, s25;
	_ =	swait.ge [sflag:s15], $0x1200  }
0x1e: {  	[sflag:s15] =	ssyncset.done $0x0  }
0x1f: {  	s26 =	sshra.s32 s26, $0x2;
	[sflag:s15] =	ssyncadd.s32 $0xFFFFEE00  }
0x20: {  	[tilespmem:s16], [sflag:$0x2] =	stream.indirect.gather [hbm4b:s3+s11], $0x40, s26, s11, $0xb8;
	[tilespmem:$0x10040] =	vst v63  }
0x21: {  	p0 =	seq.s32 s24, $0x0;
	s26 =	sadd.s32 $0x80, s26  }
0x22: {  	[tilespmem:s17], [sflag:$0x2] =	stream.indirect.gather [hbm4b:s3+s13], $0x40, s26, s13, $0xb8;
	[tilespmem:$0x10040] =	vst v63  }
0x23: {  	s26 =	simm.s32 @!p0 $0x3  }
0x24: {  	_ =	swait.ge @!p0 [sflag:s26], $0x2BC0  }
0x25: {  	[sflag:s26] =	ssyncset.done @!p0 $0x0  }
0x26: {  	[sflag:s26] =	ssyncadd.s32 @!p0 $0xFFFFD440;
	s26 =	simm.s32 $0x0  }
0x27: {  	s28 =	sshll.u32 s24, $0x1;
	s29 =	simm.s32 $0x1920;
	s30 =	simm.s32 $0xE0;
	v0 =	vld [tilespmem:s26+$0xD480]  }
.LBB2_3:
0x28: {  	p1 =	sne.s32 s30, $0xAE20;
	v1 =	vld [tilespmem:s29+$0xFFFFFFE0];
	_ =	sdelay $0x4  }
0x29: {  	v0 =	vadd.f32 v0, v1;
	_ =	sdelay $0x1  }
0x2a: {  	[tilespmem:s26+$0x7D00] =	vst v0;
	v0 =	vld [tilespmem:s26+$0xD490]  }
0x2b: {  	v1 =	vld [tilespmem:s29+$0xFFFFFFF0];
	_ =	sdelay $0x4  }
0x2c: {  	v0 =	vadd.f32 v0, v1;
	_ =	sdelay $0x1  }
0x2d: {  	[tilespmem:s26+$0x7D10] =	vst v0;
	v0 =	vld [tilespmem:s26+$0xD4A0]  }
0x2e: {  	v1 =	vld [tilespmem:s29+$0x0];
	_ =	sdelay $0x4  }
0x2f: {  	v0 =	vadd.f32 v0, v1;
	_ =	sdelay $0x1  }
0x30: {  	[tilespmem:s26+$0x7D20] =	vst v0;
	v0 =	vld [tilespmem:s26+$0xD4A2]  }
0x31: {  	v1 =	vld [tilespmem:s29+$0x2];
	_ =	sdelay $0x2  }
.Ltmp0:
0x32: {  	(pc) =	sbr.rel @p1 .LBB2_3-.Ltmp0, $4  }
0x33: {  	_ = 	snop  }
0x34: {  	v1 =	vadd.f32 v0, v1  }
0x35: {  	s31 =	sshra.s32 s30, $0x2  }
0x36: {  	s30 =	sadd.s32 $0xE0, s30;
	s29 =	sadd.s32 $0x40, s29;
	v0 =	vld [tilespmem:s31+$0xD480];
	[tilespmem:s26+$0x7D22] =	vst v1;
	s26 =	smov.u32 s31  }
0x37: {  	v1 =	vld [tilespmem:s29+$0xFFFFFFE0];
	_ =	sdelay $0x4  }
0x38: {  	v0 =	vadd.f32 v0, v1;
	_ =	sdelay $0x1  }
0x39: {  	[tilespmem:s26+$0x7D00] =	vst v0;
	v0 =	vld [tilespmem:s26+$0xD490]  }
0x3a: {  	v1 =	vld [tilespmem:s29+$0xFFFFFFF0];
	_ =	sdelay $0x4  }
0x3b: {  	v0 =	vadd.f32 v0, v1;
	_ =	sdelay $0x1  }
0x3c: {  	[tilespmem:s26+$0x7D10] =	vst v0;
	v0 =	vld [tilespmem:s26+$0xD4A0]  }
0x3d: {  	v1 =	vld [tilespmem:s29+$0x0];
	_ =	sdelay $0x4  }
0x3e: {  	v0 =	vadd.f32 v0, v1;
	_ =	sdelay $0x1  }
0x3f: {  	[tilespmem:s26+$0x7D20] =	vst v0;
	v0 =	vld [tilespmem:s26+$0xD4A2]  }
0x40: {  	v1 =	vld [tilespmem:s29+$0x2];
	_ =	sdelay $0x3  }
0x41: {  	s28 =	sadd.s32 s6, s28  }
0x42: {  	s28 =	smul.u32 $0x578, s28;
	v0 =	vadd.f32 v0, v1;
	_ =	sdelay $0x1  }
0x43: {  	s31 =	sadd.s32 s5, s28;
	[tilespmem:s26+$0x7D22] =	vst v0  }
0x44: {  	[hbm4b:s31+s2] =	stream.linear.scatter [tilespmem:s18], [sflag:$0x3], $0x2BC0, $0x38;
	[tilespmem:$0x10040] =	vst v63  }
0x45: {  	_ =	swait.ge [sflag:s19], $0x2000  }
0x46: {  	p1 =	sgt.u32 s25, $0x1E;
	[sflag:s19] =	ssyncset.done $0x0  }
0x47: {  	s26 =	smul.u32 @!p1 $0x640, s24;
	[sflag:s19] =	ssyncadd.s32 $0xFFFFE000  }
0x48: {  	_ =	swait.ge [sflag:s19], $0x1200  }
0x49: {  	s30 =	simm.s32 @!p1 $0x1900;
	s26 =	sshra.s32 @!p1 s26, $0x2;
	[sflag:s19] =	ssyncset.done $0x0  }
0x4a: {  	s29 =	simm.s32 @!p1 $0x80;
	s28 =	sadd.s32 @!p1 $0x190, s26;
	[sflag:s19] =	ssyncadd.s32 $0xFFFFEE00  }
0x4b: {  	[tilespmem:s30], [sflag:$0x1] =	stream.indirect.gather @!p1 [hbm4b:s3+s29], $0x40, s28, s29, $0xb8;
	[tilespmem:$0x10040] =	vst v63  }
0x4c: {  	s26 =	sadd.s32 @!p1 $0x210, s26;
	s28 =	simm.s32 @!p1 $0x48;
	s29 =	simm.s32 @!p1 $0x3900  }
0x4d: {  	[tilespmem:s29], [sflag:$0x1] =	stream.indirect.gather @!p1 [hbm4b:s3+s28], $0x40, s26, s28, $0xb8;
	[tilespmem:$0x10040] =	vst v63  }
0x4e: {  	s26 =	simm.s32 @!p0 $0x4  }
0x4f: {  	_ =	swait.ge @!p0 [sflag:s26], $0x2BC0  }
0x50: {  	[sflag:s26] =	ssyncset.done @!p0 $0x0  }
0x51: {  	[sflag:s26] =	ssyncadd.s32 @!p0 $0xFFFFD440;
	s26 =	simm.s32 $0x0  }
0x52: {  	s28 =	simm.s32 $0x4B20;
	s29 =	simm.s32 $0xE0;
	v0 =	vld [tilespmem:s26+$0xD480]  }
.LBB2_5:
0x53: {  	p0 =	sne.s32 s29, $0xAE20;
	v1 =	vld [tilespmem:s28+$0xFFFFFFE0];
	_ =	sdelay $0x4  }
0x54: {  	v0 =	vadd.f32 v0, v1;
	_ =	sdelay $0x1  }
0x55: {  	[tilespmem:s26+$0xA8C0] =	vst v0;
	v0 =	vld [tilespmem:s26+$0xD490]  }
0x56: {  	v1 =	vld [tilespmem:s28+$0xFFFFFFF0];
	_ =	sdelay $0x4  }
0x57: {  	v0 =	vadd.f32 v0, v1;
	_ =	sdelay $0x1  }
0x58: {  	[tilespmem:s26+$0xA8D0] =	vst v0;
	v0 =	vld [tilespmem:s26+$0xD4A0]  }
0x59: {  	v1 =	vld [tilespmem:s28+$0x0];
	_ =	sdelay $0x4  }
0x5a: {  	v0 =	vadd.f32 v0, v1;
	_ =	sdelay $0x1  }
0x5b: {  	[tilespmem:s26+$0xA8E0] =	vst v0;
	v0 =	vld [tilespmem:s26+$0xD4A2]  }
0x5c: {  	v1 =	vld [tilespmem:s28+$0x2];
	_ =	sdelay $0x2  }
.Ltmp1:
0x5d: {  	(pc) =	sbr.rel @p0 .LBB2_5-.Ltmp1, $4  }
0x5e: {  	_ = 	snop  }
0x5f: {  	v1 =	vadd.f32 v0, v1  }
0x60: {  	s30 =	sshra.s32 s29, $0x2  }
0x61: {  	s29 =	sadd.s32 $0xE0, s29;
	s28 =	sadd.s32 $0x40, s28;
	v0 =	vld [tilespmem:s30+$0xD480];
	[tilespmem:s26+$0xA8E2] =	vst v1;
	s26 =	smov.u32 s30  }
0x62: {  	v1 =	vld [tilespmem:s28+$0xFFFFFFE0];
	_ =	sdelay $0x4  }
0x63: {  	v0 =	vadd.f32 v0, v1;
	_ =	sdelay $0x1  }
0x64: {  	v58 =	vld [tilespmem:s26+$0xD490];
	[tilespmem:s26+$0xA8C0] =	vst v0  }
0x65: {  	v59 =	vld [tilespmem:s28+$0xFFFFFFF0];
	_ =	sdelay $0x4  }
0x66: {  	v0 =	vadd.f32 v58, v59;
	_ =	sdelay $0x1  }
0x67: {  	v60 =	vld [tilespmem:s26+$0xD4A0];
	[tilespmem:s26+$0xA8D0] =	vst v0  }
0x68: {  	v61 =	vld [tilespmem:s28+$0x0];
	_ =	sdelay $0x4  }
0x69: {  	v0 =	vadd.f32 v60, v61;
	_ =	sdelay $0x1  }
0x6a: {  	v62 =	vld [tilespmem:s26+$0xD4A2];
	[tilespmem:s26+$0xA8E0] =	vst v0  }
0x6b: {  	v63 =	vld [tilespmem:s28+$0x2];
	_ =	sdelay $0x1  }
0x6c: {  	s24 =	sadd.s32 $0x1, s24  }
0x6d: {  	p0 =	sne.s32 s24, $0x10  }
.Ltmp2:
0x6e: {  	s25 =	sadd.s32 s6, s25;
	(pc) =	sbr.rel @p0 .LBB2_2-.Ltmp2, $3  }
0x6f: {  	s25 =	smul.u32 $0x578, s25;
	v0 =	vadd.f32 v62, v63;
	_ =	sdelay $0x1  }
0x70: {  	s25 =	sadd.s32 s5, s25;
	[tilespmem:s26+$0xA8E2] =	vst v0  }
0x71: {  	[hbm4b:s25+s2] =	stream.linear.scatter [tilespmem:s20], [sflag:$0x4], $0x2BC0, $0x38;
	[tilespmem:$0x10040] =	vst v63  }
0x72: {  	s23 =	sadd.s32 $0x1, s23  }
0x73: {  	_ =	swait.ge [sflag:s21], $0x2BC0;
	p0 =	sne.s32 s23, s8  }
.Ltmp3:
0x74: {  	[sflag:s21] =	ssyncset.done $0x0;
	(pc) =	sbr.rel @p0 .LBB2_1-.Ltmp3, $4  }
0x75: {  	[sflag:s21] =	ssyncadd.s32 $0xFFFFD440  }
0x76: {  	_ =	swait.ge [sflag:s22], $0x2BC0  }
0x77: {  	[sflag:s22] =	ssyncset.done $0x0  }
0x78: {  	[sflag:s22] =	ssyncadd.s32 $0xFFFFD440  }
0x79: {  	_ =	sfence.sel $0x180000  }
0x7a: {  	[bflag:$0x0] =	sbarrier.arrive $0xFFFF  }
0x7b: {  	p0 =	sne.s32 s1, $0x0;
	_ =	strace $0x90000047  }
0x7c: {  	s0 =	sadd.s32 @!p0 $0x100000, s0;
	[bflag:$0x2] =	sbarrier.arrive $0xFFFF  }
0x7d: {  	[sflag:s0] =	ssyncadd.tile.s32 @!p0 $0x1;
	_ =	shalt  }
.Lfunc_end2:
_tile_overlayer_lowered:
.L_overlay_start_2:
0x7e: {  	(tag) =	ssettag $0x2  }
0x7f: {  	s0 =	rddreg [dreg:$0x0];
	s2 =	stileid.u32  }
0x80: {  	s1 =	rddreg [dreg:$0x1];
	p0 =	sne.s32 s2, $0x0  }
0x81: {  	s3 =	rddreg [dreg:$0x2];
	[bflag:$0x3] =	sbarrier.arrive $0xFFFF;
	s2 =	simm.s32 @!p0 $0x1C05  }
0x82: {  	[timem:s3], [sflag:s2] =	dma.local @!p0 [hbm:s0], s1  }
0x83: {  	s0 =	simm.s32 @!p0 $0x5  }
0x84: {  	_ =	swait.ge @!p0 [sflag:s0], s1  }
0x85: {  	s1 =	ssub.s32 @!p0 $0x0, s1;
	[sflag:s0] =	ssyncset.done @!p0 $0x0  }
0x86: {  	[sflag:s0] =	ssyncadd.s32 @!p0 s1  }
0x87: {  	[bflag:$0x3] =	sbarrier.arrive $0xFFFF  }
0x88: {  	_ =	shalt  }

// kernel: sparse-core-data-format-call.cloned.1.call-start
scs
called_computation_lowered:
.L_overlay_start_0:
0x0: {  	s2 =	sld [smem:$0x3FD9]  }
0x1: {  	s3 =	sld [smem:$0x3FFE];
	_ =	sdelay $0x1  }
0x2: {  	s1 =	srdreg.scid  }
0x3: {  	s0 =	sand.u32 $0x1, s1  }
0x4: {  	s18 =	sshll.u32 s0, $0xA;
	s2 =	sadd.s32 s3, s2  }
0x5: {  	s2 =	sadd.s32 s2, s18  }
0x6: {  	[smem:$0x3FC5] =	sst s2  }
0x7: {  	_ = 	snop  }
0x8: {  	s2 =	sld [smem:$0x3FD0];
	(tm) =	ssettm $0x1  }
0x9: {  	s19 =	sld [smem:$0x3FFB];
	_ =	sdelay $0x3  }
0xa: {  	_ =	strace s19  }
0xb: {  	s3 =	sld [smem:$0x3FFC];
	_ =	sdelay $0x3  }
0xc: {  	_ =	strace s3  }
0xd: {  	s3 =	sld [smem:$0x3FFD];
	_ =	sdelay $0x3  }
0xe: {  	_ =	strace s3  }
0xf: {  	_ =	strace $0x8FFFFFFF  }
0x10: {  	s20 =	sld [smem:$0x3FDB];
	_ =	sdelay $0x1  }
0x11: {  	s4 =	simm.s32 $_scs_section_size  }
0x12: {  	s5 =	simm.s32 $_size__tile_overlayer_lowered;
	s6 =	simm.s32 $_tile_overlayer_lowered  }
0x13: {  	s23 =	simm.s32 $0x1BFF;
	s22 =	sshll.u32 s6, $0x1;
	s3 =	sadd.s32 s4, s20  }
0x14: {  	s7 =	simm.s32 $0x0;
	s21 =	sshll.u32 s5, $0x1;
	s5 =	sadd.s32 s22, s3  }
0x15: {  	[timem:s7], [sflag:s23] =	dma.local [hbm:s5], s21  }
0x16: {  	_ =	swait.ge [sflag:s23], s21  }
0x17: {  	s4 =	ssub.s32 $0x0, s21;
	[sflag:s23] =	ssyncset.done $0x0  }
0x18: {  	[sflag:s23] =	ssyncadd.s32 s4;
	_ =	sdelay $0x1  }
0x19: {  	s24 =	simm.s32 $0x1B8B  }
0x1a: {  	_ =	swait.ge [sflag:s24], $0x1  }
0x1b: {  	[sflag:s24] =	ssyncset.done $0x0  }
0x1c: {  	s26 =	simm.s32 $0x1B8E;
	s25 =	sld [smem:$0x3FFE];
	[sflag:s24] =	ssyncadd.s32 $0xFFFFFFFF  }
0x1d: {  	s27 =	simm.s32 $execute0_lowered;
	[smem:$0x3FD2] =	sst s26  }
0x1e: {  	s5 =	sshll.u32 s27, $0x1;
	_ =	strace $0x80000049;
	[dreg:$0x1] =	wrdreg $0xFFFFFFFF  }
0x1f: {  	s28 =	simm.s32 $_size_execute0_lowered;
	s3 =	sadd.s32 s3, s5;
	[dreg:$0x0] =	wrdreg $0x0  }
0x20: {  	s5 =	sshll.u32 s28, $0x1;
	[dreg:$0x2] =	wrdreg s3  }
0x21: {  	[dreg:$0x3] =	wrdreg s5  }
0x22: {  	[dreg:$0x4] =	wrdreg $0xC0  }
0x23: {  	_ =	task [dreg:s7], $0x5FFFF  }
0x24: {  	[dreg:$0x1] =	wrdreg $0xFFFFFFFF  }
0x25: {  	[dreg:$0x0] =	wrdreg $0x60  }
0x26: {  	[dreg:$0x2] =	wrdreg s25  }
0x27: {  	[dreg:$0x3] =	wrdreg s2  }
0x28: {  	[dreg:$0x4] =	wrdreg $0x9  }
0x29: {  	_ =	task.clear_ibuf [dreg:s7], $0x5FFFF;
	_ =	strace $0x90000049  }
0x2a: {  	s29 =	simm.s32 $0x9;
	_ =	strace $0x8000004B  }
0x2b: {  	_ =	swait.ge [sflag:s29], $0x1  }
0x2c: {  	[sflag:s29] =	ssyncadd.s32 $0xFFFFFFFF  }
0x2d: {  	_ =	strace $0x9000004B  }
0x2e: {  	_ =	sfence  }
0x2f: {  	s30 =	sld [smem:$0x0];
	_ =	sdelay $0x2  }
0x30: {  	s31 =	sshll.u32 s1, $0xD;
	s1 =	sshrl.u32 s1, $0x2  }
0x31: {  	s3 =	sand.u32 $0x4000, s31;
	s1 =	sadd.s32 s1, s30  }
0x32: {  	s0 =	sor.u32 s3, s0;
	s1 =	sshll.u32 s1, $0x11  }
0x33: {  	s0 =	sor.u32 s1, s0  }
0x34: {  	s0 =	sadd.s32 $0x8F2B, s0  }
0x35: {  	[sflag:s0] =	ssyncadd.remote.s32 $0x1  }
0x36: {  	_ =	sfence.sel $0xFFFF  }
0x37: {  	[dreg:$0x0] =	wrdreg $0xFFFFFFFF;
	(pc) =	sbr.abs _section_cstart, $3  }
0x38: {  	[dreg:$0x1] =	wrdreg $0xFFFFFFFF  }
0x39: {  	_ =	task.clear_ibuf [dreg:s7], $0x2FFFF;
	_ =	strace $0x9FFFFFFF  }
0x3a: {  	(tm) =	ssettm $0x7FFFFFFF  }
0x3b: {  	_ =	shalt  }
tec
execute0_lowered:
.L_overlay_start_1:
0x0: {  	(tag) =	ssettag $0x1  }
0x1: {  	s4 =	rddreg [dreg:$0x0]  }
0x2: {  	s0 =	stileid.u32;
	s2 =	rddreg [dreg:$0x1]  }
0x3: {  	s7 =	srdreg.scid;
	s8 =	simm.s32 $0x2;
	s16 =	simm.s32 $0x0  }
0x4: {  	s9 =	simm.s32 $0x32000;
	s15 =	simm.s32 $0x0;
	s1 =	sshll.u32 s0, $0x7  }
0x5: {  	s10 =	simm.s32 $0x0;
	s11 =	simm.s32 $0x0;
	s3 =	sand.u32 $0x380, s1  }
0x6: {  	s14 =	simm.s32 $0x0;
	s7 =	sshll.u32 s7, $0x4;
	s5 =	ssub.s32 $0x400, s3  }
0x7: {  	s4 =	sadd.s32 $0x46C800, s4;
	s1 =	rddreg [dreg:$0x2];
	s6 =	sand.u32 $0x380, s5  }
0x8: {  	s7 =	sand.u32 $0x10, s7;
	p0 =	sne.s32 s6, $0x0;
	s6 =	simm.s32 $0x1  }
.Ltmp0:
0x9: {  	s5 =	sshrl.u32 s5, $0xA;
	s6 =	simm.s32 @!p0 $0x0;
	(pc) =	sbr.rel .LBB1_1-.Ltmp0, $4  }
0xa: {  	_ =	strace $0x8000004A;
	s7 =	sor.u32 s0, s7;
	s6 =	sadd.s32 s6, s5  }
0xb: {  	s7 =	sshrl.u32 s7, $0x3;
	s5 =	simm.s32 $0x1;
	s6 =	smul.u32 $0x32, s6  }
0xc: {  	s13 =	smov.u32 s3;
	s12 =	smov.u32 s7;
	[sflag:s5] =	ssyncpa.u1 $0x0  }
0xd: {  	p0 =	por $0x0, $0x0;
	[sflag:s8] =	ssyncpa.u1 $0x0;
	s8 =	sor.u32 $0x1, s6  }
.LBB1_4:
0xe: {  	s19 =	sshll.u32 s10, $0xA  }
0xf: {  	s20 =	sshll.u32 s11, $0x3;
	s21 =	sshll.u32 s10, $0x7;
	s22 =	sand.u32 $0x78, s11  }
0x10: {  	p1 =	sgt.s32 s10, $0xC7;
	s23 =	sshra.s32 s10, $0x1F;
	s24 =	smov.u32 s11  }
0x11: {  	s25 =	sshra.s32 s11, $0x1F;
	s19 =	sand.u32 $0xFFFFE000, s19;
	s20 =	sand.u32 $0xFFFFFC00, s20  }
0x12: {  	s30 =	sand.u32 $0x380, s21;
	s21 =	smov.u32 s10;
	s23 =	sand.u32 s23, s10  }
0x13: {  	s26 =	sand.u32 s25, s11;
	s19 =	sadd.s32 s20, s19;
	s20 =	sor.u32 s22, s30  }
0x14: {  	s21 =	simm.s32 @!p1 $0xC7;
	p1 =	sgt.s32 s11, $0x380;
	s19 =	sshrl.u32 s19, $0xA  }
0x15: {  	s21 =	ssub.s32 s21, s23;
	s24 =	simm.s32 @!p1 $0x380;
	s31 =	smulhi.u32 $0x147AE15, s19  }
0x16: {  	s27 =	ssub.s32 $0xC8, s21;
	s23 =	ssub.s32 s24, s26;
	s21 =	sadd.s32 $0xFFFFFF39, s21  }
0x17: {  	s24 =	smul.u32 $0x32, s27;
	s28 =	sadd.s32 $0xFFFFFC80, s23;
	p1 =	sgt.s32 s21, $0x0  }
0x18: {  	s21 =	ssub.s32 $0x400, s23;
	s22 =	smul.u32 $0xC8, s31;
	p2 =	sgt.s32 s28, $0x7F  }
0x19: {  	s29 =	sand.u32 $0x7, s11;
	s24 =	simm.s32 @p1 $0x0;
	s21 =	simm.s32 @p2 $0x0  }
0x1a: {  	[tilespmem:s18+$0x810 ss:$0x81] =	vst.msk $0xffff, v2;
	s20 =	sshrl.u32 s20, $0x3;
	s19 =	ssub.s32 s19, s22;
	s21 =	smul.u32 s21, s24  }
0x1b: {  	[tilespmem:s18+$0x1020 ss:$0x81] =	vst.msk $0xffff, v0;
	s20 =	sadd.s32 s2, s20;
	s22 =	sshll.u32 s29, $0x12;
	s19 =	sshll.u32 s19, $0x7  }
0x1c: {  	[tilespmem:s18+$0x0 ss:$0x81] =	vst.msk $0xffff, v1;
	s31 =	sor.u32 $0x80, s22;
	s30 =	sand.u32 $0x3FFFFFFE, s21;
	s19 =	sadd.s32 s19, s20  }
0x1d: {  	[hbm4b:s19+s31] =	stream.strided.scatter [tilespmem:s17], [sflag:$0x2], s30, s9, s31, $0x20;
	[tilespmem:$0x8080] =	vst v63  }
.LBB1_5:
0x1e: {  	p1 =	slt.u32 s14, $0x2  }
0x1f: {  	s18 =	smov.u32 s16;
	p2 =	sgt.s32 @!p1 s16, $0xC7;
	s17 =	sshra.s32 @!p1 s16, $0x1F  }
0x20: {  	p3 =	sgt.s32 @!p1 s15, $0x380;
	s19 =	sshra.s32 @!p1 s15, $0x1F;
	p2 =	por !p2, p1  }
0x21: {  	s16 =	sand.u32 @!p1 s17, s16;
	p3 =	por !p3, p1;
	s17 =	smov.u32 s15  }
0x22: {  	s15 =	sand.u32 @!p1 s19, s15;
	s18 =	simm.s32 @p2 $0xC7;
	s17 =	simm.s32 @p3 $0x380  }
0x23: {  	s19 =	smov.u32 s13;
	s16 =	ssub.s32 @!p1 s18, s16;
	s15 =	ssub.s32 @!p1 s17, s15  }
0x24: {  	s17 =	sadd.s32 @!p1 $0xFFFFFF39, s16;
	s16 =	ssub.s32 @!p1 $0xC8, s16;
	s18 =	sadd.s32 @!p1 $0xFFFFFC80, s15  }
0x25: {  	p2 =	sgt.s32 @!p1 s17, $0x0;
	s16 =	smul.u32 @!p1 $0x32, s16;
	p3 =	sgt.s32 @!p1 s18, $0x7F  }
0x26: {  	s15 =	ssub.s32 @!p1 $0x400, s15;
	p2 =	por !p2, p1;
	p3 =	por !p3, p1  }
0x27: {  	s17 =	sadd.s32 $0x4, s12;
	s16 =	simm.s32 @!p2 $0x0;
	s15 =	simm.s32 @!p3 $0x0  }
0x28: {  	p2 =	sgt.s32 s17, $0xC7;
	s15 =	smul.u32 @!p1 s15, s16;
	s16 =	sadd.s32 $0x400, s13  }
0x29: {  	s19 =	smov.u32 @p2 s16  }
0x2a: {  	s17 =	smov.u32 @p2 s7;
	p2 =	sgt.s32 s19, $0x3FF  }
0x2b: {  	s19 =	smov.u32 @p2 s3;
	p2 =	sne.s32 s14, s8  }
.Ltmp1:
0x2c: {  	p0 =	por !p0, !p0;
	s18 =	simm.s32 @!p1 $0x2;
	(pc) =	sbr.rel @!p2 .LBB1_6-.Ltmp1, $4  }
0x2d: {  	s16 =	smov.u32 s10;
	s10 =	smov.u32 s12;
	s15 =	sand.u32 @!p1 $0x3FFFFFFE, s15  }
0x2e: {  	s12 =	smov.u32 s17;
	_ =	swait.ge @!p1 [sflag:s18], s15;
	s20 =	ssub.s32 @!p1 $0x0, s15  }
0x2f: {  	s15 =	smov.u32 s11;
	s14 =	sadd.s32 $0x1, s14;
	[sflag:s18] =	ssyncset.done @!p1 $0x0  }
0x30: {  	s11 =	smov.u32 s13;
	s13 =	smov.u32 s19;
	[sflag:s18] =	ssyncadd.s32 @!p1 s20  }
.LBB1_1:
0x31: {  	p1 =	sge.u32 s14, s6  }
0x32: {  	s17 =	sand.u32 @!p1 $0x1FFFFFF, s12  }
0x33: {  	s18 =	smulhi.u32 @!p1 $0x147AE15, s17;
	_ =	sdelay $0x1  }
0x34: {  	s18 =	smul.u32 @!p1 $0xC8, s18  }
0x35: {  	s19 =	sxor.u32 @!p1 $0xFFFFFFFF, s14;
	s20 =	smul.u32 @!p1 $0xC80, s13  }
0x36: {  	s31 =	sadd.s32 $0xFFFFFFFF, s14;
	s19 =	sshll.u32 @!p1 s19, $0xD;
	s17 =	ssub.s32 @!p1 s17, s18  }
0x37: {  	s18 =	sand.u32 @!p1 $0x2000, s19;
	s19 =	sadd.s32 @!p1 s4, s20;
	s17 =	sshll.u32 @!p1 s17, $0x4  }
0x38: {  	s20 =	simm.s32 @!p1 $0x6400;
	s17 =	sadd.s32 @!p1 s17, s19;
	s19 =	simm.s32 @!p1 $0x40  }
0x39: {  	[tilespmem:s18], [sflag:$0x1] =	stream.strided.gather @!p1 [hbm4b:s17+s19], $0x2000, s20, s19, $0x38;
	[tilespmem:$0x8080] =	vst v63  }
0x3a: {  	p1 =	sge.u32 s31, s6  }
.Ltmp2:
0x3b: {  	_ = 	snop;
	(pc) =	sbr.rel @p1 .LBB1_5-.Ltmp2, $1  }
0x3c: {  	_ =	sdelay $0x3  }
0x3d: {  	s17 =	simm.s32 $0x1  }
0x3e: {  	_ =	swait.ge [sflag:s5], $0x2000;
	s17 =	simm.s32 @!p0 $0x0  }
0x3f: {  	[sflag:s5] =	ssyncset.done $0x0;
	s18 =	sshll.u32 s17, $0xD  }
0x40: {  	[sflag:s5] =	ssyncadd.s32 $0xFFFFE000;
	s21 =	sor.u32 $0x20, s18  }
0x41: {  	s17 =	smul.u32 $0x8100, s17;
	v3 =	vld [tilespmem:s21+$0x10]  }
0x42: {  	s30 =	sand.u32 $0x1, s14;
	v2 =	vld [tilespmem:s21+$0xFFFFFFF0]  }
0x43: {  	s18 =	smul.u32 $0x8100, s30;
	s17 =	sshrl.u32 s17, $0x2;
	v0 =	vld [tilespmem:s21+$0x0]  }
0x44: {  	v1 =	vld [tilespmem:s21+$0xFFFFFFE0];
	s19 =	sor.u32 $0x4000, s17  }
0x45: {  	s31 =	sshrl.u32 s18, $0x2;
	s18 =	sadd.s32 $0x0, s19  }
0x46: {  	s20 =	simm.s32 $0x4;
	s21 =	sadd.s32 $0x40, s21;
	s17 =	sor.u32 $0x4000, s31;
	[tilespmem:s18+$0x1830 ss:$0x81] =	vst.msk $0xffff, v3  }
.LBB1_3:
0x47: {  	v3 =	vld [tilespmem:s21+$0x10];
	p1 =	sne.s32 s20, $0x1FC;
	[tilespmem:s18+$0x810 ss:$0x81] =	vst.msk $0xffff, v2;
	s22 =	smov.u32 s20;
	s20 =	sadd.s32 $0x4, s20  }
.Ltmp3:
0x48: {  	v2 =	vld [tilespmem:s21+$0xFFFFFFF0];
	[tilespmem:s18+$0x1020 ss:$0x81] =	vst.msk $0xffff, v0;
	(pc) =	sbr.rel @p1 .LBB1_3-.Ltmp3, $4  }
0x49: {  	v0 =	vld [tilespmem:s21+$0x0];
	[tilespmem:s18+$0x0 ss:$0x81] =	vst.msk $0xffff, v1  }
0x4a: {  	s18 =	sshra.s32 s22, $0x2;
	v1 =	vld [tilespmem:s21+$0xFFFFFFE0]  }
0x4b: {  	s18 =	sadd.s32 s18, s19  }
0x4c: {  	s21 =	sadd.s32 $0x40, s21;
	[tilespmem:s18+$0x1830 ss:$0x81] =	vst.msk $0xffff, v3  }
.Ltmp4:
0x4d: {  	_ = 	snop;
	(pc) =	sbr.rel .LBB1_4-.Ltmp4, $1  }
0x4e: {  	_ =	sdelay $0x3  }
.LBB1_6:
0x4f: {  	_ =	sfence.sel $0x180000  }
0x50: {  	s2 =	simm.s32 $0x1;
	[bflag:$0x0] =	sbarrier.arrive $0xFFFF  }
0x51: {  	s31 =	simm.s32 $0x2;
	[sflag:s2] =	ssyncpa.u1 $0x1  }
0x52: {  	[sflag:s31] =	ssyncpa.u1 $0x1  }
0x53: {  	p0 =	sne.s32 s0, $0x0;
	_ =	strace $0x9000004A  }
0x54: {  	s0 =	sadd.s32 @!p0 $0x100000, s1;
	[bflag:$0x2] =	sbarrier.arrive $0xFFFF  }
0x55: {  	[sflag:s0] =	ssyncadd.tile.s32 @!p0 $0x1;
	_ =	shalt  }
.Lfunc_end1:
_tile_overlayer_lowered:
.L_overlay_start_2:
0x56: {  	(tag) =	ssettag $0x2  }
0x57: {  	s0 =	rddreg [dreg:$0x0];
	s2 =	stileid.u32  }
0x58: {  	s1 =	rddreg [dreg:$0x1];
	p0 =	sne.s32 s2, $0x0  }
0x59: {  	s3 =	rddreg [dreg:$0x2];
	[bflag:$0x3] =	sbarrier.arrive $0xFFFF;
	s2 =	simm.s32 @!p0 $0x1C01  }
0x5a: {  	[timem:s3], [sflag:s2] =	dma.local @!p0 [hbm:s0], s1  }
0x5b: {  	s0 =	simm.s32 @!p0 $0x1  }
0x5c: {  	_ =	swait.ge @!p0 [sflag:s0], s1  }
0x5d: {  	s1 =	ssub.s32 @!p0 $0x0, s1;
	[sflag:s0] =	ssyncset.done @!p0 $0x0  }
0x5e: {  	[sflag:s0] =	ssyncadd.s32 @!p0 s1  }
0x5f: {  	[bflag:$0x3] =	sbarrier.arrive $0xFFFF  }
0x60: {  	_ =	shalt  }

</sc_bundles>
